<compile_context>
chip_gen: v7x
topology: tpu7x:2x2x1
jax: 0.10.2.dev20260603
libtpu: 0.0.44.dev20260713+nightly
codegen_flags: <defaults>
</compile_context>

<pallas_src>
import functools

import jax
import jax.numpy as jnp
from jax import lax
from jax.experimental import pallas as pl
from jax.experimental.pallas import tpu as pltpu
from jax.experimental.pallas import tpu_sc as plsc

N_NODES = 10000
N_PAD = 10240
D_IN = 128
D_OUT = 64
N_EDGES = 320000
NC, NS = 2, 16
NW = NC * NS
E_PER_W = 10240
CHUNK = 256
IB = CHUNK // 128
N_CHUNKS = E_PER_W // CHUNK
NB = 4
N_GROUPS = N_CHUNKS // NB
E_PAD = NW * E_PER_W
ROWS_PER_TILE = N_PAD // NS
RB = 2048
N_RB = N_PAD // RB
RB_FIN = 1000
N_RB_FIN = N_NODES // RB_FIN

E_DEG_W = N_EDGES // NW


def _deg_body(dst_hbm, degp_hbm, dst_v, deg_v):
    cid = lax.axis_index("c")
    tid = lax.axis_index("s")
    wid = cid * NS + tid
    zeros16 = jnp.zeros((16,), jnp.float32)
    ones16 = jnp.ones((16,), jnp.float32)

    def _zero(i, _):
        deg_v[pl.ds(i * 16, 16)] = zeros16
        return 0

    lax.fori_loop(0, N_PAD // 16, _zero, 0)
    pltpu.sync_copy(dst_hbm.at[wid], dst_v)

    def _count(j, _):
        idx = dst_v[pl.ds(j * 16, 16)]
        plsc.addupdate_scatter(deg_v, [idx], ones16)
        return 0

    lax.fori_loop(0, E_DEG_W // 16, _count, 0)
    pltpu.sync_copy(deg_v, degp_hbm.at[wid])


def _hop_body(g_hbm, src_hbm, dst_hbm, zeros_hbm, part_hbm,
              src_v, dst_v, rows_v, acc_sh, *sems):
    g_sems, s_sems = sems[:NB], sems[NB:]
    cid = lax.axis_index("c")
    tid = lax.axis_index("s")
    wid = cid * NS + tid
    row0 = tid * ROWS_PER_TILE

    pltpu.sync_copy(zeros_hbm.at[pl.ds(row0, ROWS_PER_TILE)],
                    acc_sh.at[pl.ds(row0, ROWS_PER_TILE)])
    pltpu.sync_copy(src_hbm.at[wid], src_v)
    pltpu.sync_copy(dst_hbm.at[wid], dst_v)
    plsc.subcore_barrier()

    def _gather(b, c):
        return pltpu.make_async_copy(
            g_hbm.at[src_v.at[pl.ds(c * CHUNK, CHUNK)]], rows_v.at[b],
            g_sems[b])

    def _scatter_start(b, c):
        pltpu.async_copy(
            rows_v.at[b], acc_sh.at[dst_v.at[pl.ds(c * CHUNK, CHUNK)]],
            s_sems[b], add=True)

    def _scatter_wait(b, c):
        pltpu.make_async_copy(
            rows_v.at[b], acc_sh.at[dst_v.at[pl.ds(c * CHUNK, CHUNK)]],
            s_sems[b]).wait()

    for b in range(NB):
        _gather(b, b).start()

    def _group(gi, _):
        base = gi * NB
        for b in range(NB):
            _gather(b, base + b).wait()
            _scatter_start(b, base + b)
        for b in range(NB):
            _scatter_wait(b, base + b)
            _gather(b, base + b + NB).start()
        return 0

    lax.fori_loop(0, N_GROUPS - 1, _group, 0)
    base = (N_GROUPS - 1) * NB
    for b in range(NB):
        _gather(b, base + b).wait()
        _scatter_start(b, base + b)
    for b in range(NB):
        _scatter_wait(b, base + b)
    plsc.subcore_barrier()
    pltpu.sync_copy(acc_sh.at[pl.ds(row0, ROWS_PER_TILE)],
                    part_hbm.at[cid, pl.ds(row0, ROWS_PER_TILE)])


@functools.lru_cache(maxsize=None)
def _sc_kernels():
    mesh = plsc.VectorSubcoreMesh(
        core_axis_name="c", subcore_axis_name="s",
        num_cores=NC, num_subcores=NS)
    params = pltpu.CompilerParams(
        needs_layout_passes=False, use_tc_tiling_on_sc=False)
    deg_k = pl.kernel(
        _deg_body,
        out_type=jax.ShapeDtypeStruct((NW, N_PAD), jnp.float32),
        mesh=mesh,
        compiler_params=params,
        scratch_types=[
            pltpu.VMEM((E_DEG_W,), jnp.int32),
            pltpu.VMEM((N_PAD,), jnp.float32),
        ],
    )
    hop_k = pl.kernel(
        _hop_body,
        out_type=jax.ShapeDtypeStruct((NC, N_PAD, D_OUT), jnp.float32),
        mesh=mesh,
        compiler_params=params,
        scratch_types=[
            pltpu.VMEM((E_PER_W,), jnp.int32),
            pltpu.VMEM((E_PER_W,), jnp.int32),
            pltpu.VMEM((NB, CHUNK, D_OUT), jnp.float32),
            pltpu.VMEM_SHARED((N_PAD, D_OUT), jnp.float32),
        ] + [pltpu.SemaphoreType.DMA] * (2 * NB),
    )
    return deg_k, hop_k


def _mm_body(x_ref, wsg_ref, wfin_ref, degp_ref, g_ref, deg_ref):
    deg = jnp.sum(degp_ref[...], axis=0)
    nrm = lax.rsqrt(jnp.maximum(deg, 1.0))
    y = jnp.dot(x_ref[...], wsg_ref[...], preferred_element_type=jnp.float32)
    y = jnp.dot(y, wfin_ref[...], preferred_element_type=jnp.float32)
    row = pl.program_id(0) * RB + lax.broadcasted_iota(jnp.int32, (RB, 1), 0)
    g_ref[...] = jnp.where(row < N_NODES, y * nrm[:, None], 0.0)
    deg_ref[...] = deg[:, None]


def _mid_body(part_ref, deg_ref, out_ref):
    s = part_ref[0] + part_ref[1]
    out_ref[...] = s / jnp.maximum(deg_ref[...], 1.0)


def _fin_body(part_ref, deg_ref, b_ref, out_ref):
    s = part_ref[0] + part_ref[1]
    nrm = lax.rsqrt(jnp.maximum(deg_ref[...], 1.0))
    out_ref[...] = s * nrm + b_ref[...]


def kernel(x, edge_index, nonzer_index, nonzer_value, W_sg, W_fin, b_fin):
    del nonzer_index, nonzer_value
    src = edge_index[0].astype(jnp.int32)
    dst = edge_index[1].astype(jnp.int32)
    pad = E_PAD - N_EDGES
    src_p = jnp.concatenate(
        [src, N_NODES + (jnp.arange(pad, dtype=jnp.int32) % (N_PAD - N_NODES))])
    dst_p = jnp.concatenate(
        [dst, jnp.arange(pad, dtype=jnp.int32) % N_PAD])
    src3 = src_p.reshape(NW, E_PER_W)
    dst3 = dst_p.reshape(NW, E_PER_W)
    dst_flat = dst.reshape(NW, E_DEG_W)
    x_p = jnp.pad(x, ((0, N_PAD - N_NODES), (0, 0)))
    zeros_tbl = jnp.zeros((N_PAD, D_OUT), jnp.float32)
    b2 = b_fin.reshape(1, D_OUT)

    _deg_kernel, _hop_kernel = _sc_kernels()
    degp = _deg_kernel(dst_flat)

    g, deg = pl.pallas_call(
        _mm_body,
        grid=(N_RB,),
        in_specs=[
            pl.BlockSpec((RB, D_IN), lambda i: (i, 0)),
            pl.BlockSpec((D_IN, D_IN), lambda i: (0, 0)),
            pl.BlockSpec((D_IN, D_OUT), lambda i: (0, 0)),
            pl.BlockSpec((NW, RB), lambda i: (0, i)),
        ],
        out_specs=[
            pl.BlockSpec((RB, D_OUT), lambda i: (i, 0)),
            pl.BlockSpec((RB, 1), lambda i: (i, 0)),
        ],
        out_shape=[
            jax.ShapeDtypeStruct((N_PAD, D_OUT), jnp.float32),
            jax.ShapeDtypeStruct((N_PAD, 1), jnp.float32),
        ],
    )(x_p, W_sg, W_fin, degp)

    part1 = _hop_kernel(g, src3, dst3, zeros_tbl)

    g2 = pl.pallas_call(
        _mid_body,
        grid=(N_RB,),
        in_specs=[
            pl.BlockSpec((NC, RB, D_OUT), lambda i: (0, i, 0)),
            pl.BlockSpec((RB, 1), lambda i: (i, 0)),
        ],
        out_specs=pl.BlockSpec((RB, D_OUT), lambda i: (i, 0)),
        out_shape=jax.ShapeDtypeStruct((N_PAD, D_OUT), jnp.float32),
    )(part1, deg)

    part2 = _hop_kernel(g2, src3, dst3, zeros_tbl)

    out = pl.pallas_call(
        _fin_body,
        grid=(N_RB_FIN,),
        in_specs=[
            pl.BlockSpec((NC, RB_FIN, D_OUT), lambda i: (0, i, 0)),
            pl.BlockSpec((RB_FIN, 1), lambda i: (i, 0)),
            pl.BlockSpec((1, D_OUT), lambda i: (0, 0)),
        ],
        out_specs=pl.BlockSpec((RB_FIN, D_OUT), lambda i: (i, 0)),
        out_shape=jax.ShapeDtypeStruct((N_NODES, D_OUT), jnp.float32),
    )(part2, deg, b2)

    return out

# --- scband reference (transcript-rebuilt; emitter-appended) ---
"""Pipeline reference for scband-simple-gcn-84670985273716 (READ-ONLY COPY).

The authoritative reference and input builder live on the scoring server;
editing this copy changes nothing except your own understanding.
"""

import jax, jax.numpy as jnp
import numpy as np

N_NODES = 10000
D_FEAT = 128
N_HIDDEN = 128
N_CLASSES = 64
N_EDGES = 320000


def setup_inputs(seed: int = 0) -> dict:
    key = jax.random.key(seed)
    k1, k2, k3, k4, k5, k6, k7 = jax.random.split(key, 7)
    x = jax.random.normal(k1, (N_NODES, D_FEAT), dtype=jnp.float32)
    edge_index = jax.random.randint(k2, (2, N_EDGES), 0, N_NODES, dtype=jnp.int64)
    nonzer_index = jax.random.randint(k3, (N_NODES, 8), 0, N_NODES, dtype=jnp.int64)
    nonzer_value = jax.random.uniform(k4, (N_NODES, 8), dtype=jnp.float32)
    # SGConv linear weight (bias=False): [in_feats, n_hidden]
    W_sg = jax.random.normal(k5, (D_FEAT, N_HIDDEN), dtype=jnp.float32) / np.sqrt(D_FEAT)
    # final_linear_single: [n_hidden, n_classes] + bias
    W_fin = jax.random.normal(k6, (N_HIDDEN, N_CLASSES), dtype=jnp.float32) / np.sqrt(N_HIDDEN)
    b_fin = jax.random.normal(k7, (N_CLASSES,), dtype=jnp.float32) * 0.01
    return {"x": x, "edge_index": edge_index, "nonzer_index": nonzer_index,
            "nonzer_value": nonzer_value, "W_sg": W_sg, "W_fin": W_fin, "b_fin": b_fin}


def reference(x, edge_index, nonzer_index, nonzer_value, W_sg, W_fin, b_fin):
    # SimpleGCN with direct=True: h = SGConv(g, x, k=2, bias=False); out = final_linear_single(h)
    # DGL SGConv: symmetric normalization with in-degrees, k propagation steps, then linear.
    src = edge_index[0]
    dst = edge_index[1]
    n = x.shape[0]
    deg = jnp.zeros((n,), dtype=jnp.float32).at[dst].add(1.0)
    norm = jax.lax.rsqrt(jnp.clip(deg, 1.0, None))
    h = x
    for _ in range(2):  # k=2
        h = h * norm[:, None]
        msgs = jnp.take(h, src, axis=0)
        h = jax.ops.segment_sum(msgs, dst, num_segments=n)
        h = h * norm[:, None]
    h = h @ W_sg
    out = h @ W_fin + b_fin
    return out

if __name__ == "__main__":
    import jax
    _d = setup_inputs()
    print(jax.jit(kernel)(*tuple(_d.values())))

</pallas_src>

<mosaic_0001>
#map = affine_map<(d0, d1) -> (0, 0)>
module attributes {stable_mosaic.version = 14 : i64} {
  func.func @_deg_body(%arg0: i32, %arg1: i32, %arg2: memref<32x10000xi32, #tpu.memory_space<hbm>>, %arg3: memref<32x10240xf32, #tpu.memory_space<hbm>>, %arg4: memref<10000xi32, #tpu.memory_space<vmem>>, %arg5: memref<10240xf32, #tpu.memory_space<vmem>>) attributes {dimension_semantics = [#tpu.dimension_semantics<core_parallel>, #tpu.dimension_semantics<subcore_parallel>], iteration_bounds = array<i64: 2, 16>, scalar_prefetch = 0 : i64, scratch_operands = 2 : i64, tpu.core_type = #tpu.core_type<sc_vector_subcore>, window_params = [{transform_indices = #map}, {transform_indices = #map}]} {
    %mul3A = arith.constant 16 : i32
    %mul3A_0 = arith.muli %arg0, %mul3A : i32
    %add3A = arith.addi %mul3A_0, %arg1 : i32
    %broadcast_in_dim3A = arith.constant 0.000000e+00 : f32
    %broadcast_in_dim3A_1 = vector.broadcast %broadcast_in_dim3A : f32 to vector<16xf32>
    %broadcast_in_dim3A_2 = arith.constant 1.000000e+00 : f32
    %broadcast_in_dim3A_3 = vector.broadcast %broadcast_in_dim3A_2 : f32 to vector<16xf32>
    %scan3A = arith.constant 0 : i32
    %scan3A_4 = arith.constant 0 : i32
    %scan3A_5 = arith.constant 640 : i32
    %scan3A_6 = arith.addi %scan3A_4, %scan3A_5 : i32
    %scan3A_7 = arith.constant 1 : i32
    %scan3A_8 = scf.for %scan3A_17 = %scan3A_4 to %scan3A_6 step %scan3A_7 iter_args(%scan3A_18 = %scan3A) -> (i32)  : i32 {
      %mul3A_19 = arith.constant 16 : i32
      %mul3A_20 = arith.muli %scan3A_17, %mul3A_19 : i32
      %swap3A = arith.index_cast %mul3A_20 : i32 to index
      %swap3A_21 = tpu.vector_load %arg5[%swap3A] {strides = array<i32>} : memref<10240xf32, #tpu.memory_space<vmem>>, vector<16xf32>,
      tpu.vector_store %arg5[%swap3A], %broadcast_in_dim3A_1 {strides = array<i32>} : memref<10240xf32, #tpu.memory_space<vmem>>, vector<16xf32>,
      %scan3A_22 = arith.constant 0 : i32
      scf.yield %scan3A_22 : i32
    }
    %scan3A_9 = arith.constant 640 : i32
    "tpu.region"() ({
      %run_scoped3A = tpu.sem_alloc : memref<!tpu.dma_semaphore, #tpu.memory_space<semaphore_mem>>
      %dma_start3A = arith.constant 0 : i32
      %dma_start3A_17 = tpu.memref_slice %arg2[%add3A, %dma_start3A] : memref<32x10000xi32, #tpu.memory_space<hbm>> -> memref<1x10000xi32, #tpu.memory_space<hbm>>
      %dma_start3A_18 = tpu.memref_squeeze %dma_start3A_17 : memref<1x10000xi32, #tpu.memory_space<hbm>> -> memref<10000xi32, #tpu.memory_space<hbm>>
      %dma_start3A_19 = arith.constant 0 : i32
      %dma_start3A_20 = tpu.memref_slice %arg2[%add3A, %dma_start3A_19] : memref<32x10000xi32, #tpu.memory_space<hbm>> -> memref<1x10000xi32, #tpu.memory_space<hbm>>
      %dma_start3A_21 = tpu.memref_squeeze %dma_start3A_20 : memref<1x10000xi32, #tpu.memory_space<hbm>> -> memref<10000xi32, #tpu.memory_space<hbm>>
      tpu.enqueue_dma source(%dma_start3A_21 : memref<10000xi32, #tpu.memory_space<hbm>>) target(%arg4 : memref<10000xi32, #tpu.memory_space<vmem>>) target_semaphore(%run_scoped3A : memref<!tpu.dma_semaphore, #tpu.memory_space<semaphore_mem>>)
      %dma_wait3A = arith.constant 0 : i32
      %dma_wait3A_22 = tpu.memref_slice %arg2[%add3A, %dma_wait3A] : memref<32x10000xi32, #tpu.memory_space<hbm>> -> memref<1x10000xi32, #tpu.memory_space<hbm>>
      %dma_wait3A_23 = tpu.memref_squeeze %dma_wait3A_22 : memref<1x10000xi32, #tpu.memory_space<hbm>> -> memref<10000xi32, #tpu.memory_space<hbm>>
      %dma_wait3A_24 = arith.constant 0 : i32
      %dma_wait3A_25 = tpu.memref_slice %arg2[%add3A, %dma_wait3A_24] : memref<32x10000xi32, #tpu.memory_space<hbm>> -> memref<1x10000xi32, #tpu.memory_space<hbm>>
      %dma_wait3A_26 = tpu.memref_squeeze %dma_wait3A_25 : memref<1x10000xi32, #tpu.memory_space<hbm>> -> memref<10000xi32, #tpu.memory_space<hbm>>
      tpu.wait_dma2 semaphore(%run_scoped3A : memref<!tpu.dma_semaphore, #tpu.memory_space<semaphore_mem>>) src(%dma_wait3A_26 : memref<10000xi32, #tpu.memory_space<hbm>>) dst(%arg4 : memref<10000xi32, #tpu.memory_space<vmem>>)
      tpu.yield
    }) : () -> ()
    %scan3A_10 = arith.constant 0 : i32
    %scan3A_11 = arith.constant 0 : i32
    %scan3A_12 = arith.constant 625 : i32
    %scan3A_13 = arith.addi %scan3A_11, %scan3A_12 : i32
    %scan3A_14 = arith.constant 1 : i32
    %scan3A_15 = scf.for %scan3A_17 = %scan3A_11 to %scan3A_13 step %scan3A_14 iter_args(%scan3A_18 = %scan3A_10) -> (i32)  : i32 {
      %mul3A_19 = arith.constant 16 : i32
      %mul3A_20 = arith.muli %scan3A_17, %mul3A_19 : i32
      %get3A = arith.index_cast %mul3A_20 : i32 to index
      %get3A_21 = tpu.vector_load %arg4[%get3A] {strides = array<i32>} : memref<10000xi32, #tpu.memory_space<vmem>>, vector<16xi32>,
      tpu.vector_store_idx %arg5[%get3A_21], %broadcast_in_dim3A_3 {add = true} : memref<10240xf32, #tpu.memory_space<vmem>>[vector<16xi32>], vector<16xf32>,
      %scan3A_22 = arith.constant 0 : i32
      scf.yield %scan3A_22 : i32
    }
    %scan3A_16 = arith.constant 625 : i32
    "tpu.region"() ({
      %run_scoped3A = tpu.sem_alloc : memref<!tpu.dma_semaphore, #tpu.memory_space<semaphore_mem>>
      %dma_start3A = arith.constant 0 : i32
      %dma_start3A_17 = tpu.memref_slice %arg3[%add3A, %dma_start3A] : memref<32x10240xf32, #tpu.memory_space<hbm>> -> memref<1x10240xf32, #tpu.memory_space<hbm>>
      %dma_start3A_18 = tpu.memref_squeeze %dma_start3A_17 : memref<1x10240xf32, #tpu.memory_space<hbm>> -> memref<10240xf32, #tpu.memory_space<hbm>>
      %dma_start3A_19 = arith.constant 0 : i32
      %dma_start3A_20 = tpu.memref_slice %arg3[%add3A, %dma_start3A_19] : memref<32x10240xf32, #tpu.memory_space<hbm>> -> memref<1x10240xf32, #tpu.memory_space<hbm>>
      %dma_start3A_21 = tpu.memref_squeeze %dma_start3A_20 : memref<1x10240xf32, #tpu.memory_space<hbm>> -> memref<10240xf32, #tpu.memory_space<hbm>>
      tpu.enqueue_dma source(%arg5 : memref<10240xf32, #tpu.memory_space<vmem>>) target(%dma_start3A_21 : memref<10240xf32, #tpu.memory_space<hbm>>) target_semaphore(%run_scoped3A : memref<!tpu.dma_semaphore, #tpu.memory_space<semaphore_mem>>)
      %dma_wait3A = arith.constant 0 : i32
      %dma_wait3A_22 = tpu.memref_slice %arg3[%add3A, %dma_wait3A] : memref<32x10240xf32, #tpu.memory_space<hbm>> -> memref<1x10240xf32, #tpu.memory_space<hbm>>
      %dma_wait3A_23 = tpu.memref_squeeze %dma_wait3A_22 : memref<1x10240xf32, #tpu.memory_space<hbm>> -> memref<10240xf32, #tpu.memory_space<hbm>>
      %dma_wait3A_24 = arith.constant 0 : i32
      %dma_wait3A_25 = tpu.memref_slice %arg3[%add3A, %dma_wait3A_24] : memref<32x10240xf32, #tpu.memory_space<hbm>> -> memref<1x10240xf32, #tpu.memory_space<hbm>>
      %dma_wait3A_26 = tpu.memref_squeeze %dma_wait3A_25 : memref<1x10240xf32, #tpu.memory_space<hbm>> -> memref<10240xf32, #tpu.memory_space<hbm>>
      tpu.wait_dma2 semaphore(%run_scoped3A : memref<!tpu.dma_semaphore, #tpu.memory_space<semaphore_mem>>) src(%arg5 : memref<10240xf32, #tpu.memory_space<vmem>>) dst(%dma_wait3A_26 : memref<10240xf32, #tpu.memory_space<hbm>>)
      tpu.yield
    }) : () -> ()
    return
  }
}

#map = affine_map<(d0, d1) -> (0, 0)>
#map1 = affine_map<(d0, d1) -> (0, 0, 0)>
module attributes {stable_mosaic.version = 14 : i64} {
  func.func @_hop_body(%arg0: i32, %arg1: i32, %arg2: memref<10240x64xf32, #tpu.memory_space<hbm>>, %arg3: memref<32x10240xi32, #tpu.memory_space<hbm>>, %arg4: memref<32x10240xi32, #tpu.memory_space<hbm>>, %arg5: memref<10240x64xf32, #tpu.memory_space<hbm>>, %arg6: memref<2x10240x64xf32, #tpu.memory_space<hbm>>, %arg7: memref<10240xi32, #tpu.memory_space<vmem>>, %arg8: memref<10240xi32, #tpu.memory_space<vmem>>, %arg9: memref<4x256x64xf32, #tpu.memory_space<vmem>>, %arg10: memref<10240x64xf32, #tpu.memory_space<vmem_shared>>, %arg11: memref<!tpu.dma_semaphore, #tpu.memory_space<semaphore_mem>>, %arg12: memref<!tpu.dma_semaphore, #tpu.memory_space<semaphore_mem>>, %arg13: memref<!tpu.dma_semaphore, #tpu.memory_space<semaphore_mem>>, %arg14: memref<!tpu.dma_semaphore, #tpu.memory_space<semaphore_mem>>, %arg15: memref<!tpu.dma_semaphore, #tpu.memory_space<semaphore_mem>>, %arg16: memref<!tpu.dma_semaphore, #tpu.memory_space<semaphore_mem>>, %arg17: memref<!tpu.dma_semaphore, #tpu.memory_space<semaphore_mem>>, %arg18: memref<!tpu.dma_semaphore, #tpu.memory_space<semaphore_mem>>) attributes {dimension_semantics = [#tpu.dimension_semantics<core_parallel>, #tpu.dimension_semantics<subcore_parallel>], iteration_bounds = array<i64: 2, 16>, scalar_prefetch = 0 : i64, scratch_operands = 12 : i64, tpu.core_type = #tpu.core_type<sc_vector_subcore>, window_params = [{transform_indices = #map}, {transform_indices = #map}, {transform_indices = #map}, {transform_indices = #map}, {transform_indices = #map1}]} {
    %mul3A = arith.constant 16 : i32
    %mul3A_0 = arith.muli %arg0, %mul3A : i32
    %add3A = arith.addi %mul3A_0, %arg1 : i32
    %mul3A_1 = arith.constant 640 : i32
    %mul3A_2 = arith.muli %arg1, %mul3A_1 : i32
    "tpu.region"() ({
      %run_scoped3A = tpu.sem_alloc : memref<!tpu.dma_semaphore, #tpu.memory_space<semaphore_mem>>
      %dma_start3A_168 = arith.constant 0 : i32
      %dma_start3A_169 = tpu.memref_slice %arg10[%mul3A_2, %dma_start3A_168] : memref<10240x64xf32, #tpu.memory_space<vmem_shared>> -> memref<640x64xf32, #tpu.memory_space<vmem_shared>>
      %dma_start3A_170 = arith.constant 0 : i32
      %dma_start3A_171 = tpu.memref_slice %arg5[%mul3A_2, %dma_start3A_170] : memref<10240x64xf32, #tpu.memory_space<hbm>> -> memref<640x64xf32, #tpu.memory_space<hbm>>
      tpu.enqueue_dma source(%dma_start3A_171 : memref<640x64xf32, #tpu.memory_space<hbm>>) target(%dma_start3A_169 : memref<640x64xf32, #tpu.memory_space<vmem_shared>>) target_semaphore(%run_scoped3A : memref<!tpu.dma_semaphore, #tpu.memory_space<semaphore_mem>>)
      %dma_wait3A_172 = arith.constant 0 : i32
      %dma_wait3A_173 = tpu.memref_slice %arg10[%mul3A_2, %dma_wait3A_172] : memref<10240x64xf32, #tpu.memory_space<vmem_shared>> -> memref<640x64xf32, #tpu.memory_space<vmem_shared>>
      %dma_wait3A_174 = arith.constant 0 : i32
      %dma_wait3A_175 = tpu.memref_slice %arg5[%mul3A_2, %dma_wait3A_174] : memref<10240x64xf32, #tpu.memory_space<hbm>> -> memref<640x64xf32, #tpu.memory_space<hbm>>
      tpu.wait_dma2 semaphore(%run_scoped3A : memref<!tpu.dma_semaphore, #tpu.memory_space<semaphore_mem>>) src(%dma_wait3A_175 : memref<640x64xf32, #tpu.memory_space<hbm>>) dst(%dma_wait3A_173 : memref<640x64xf32, #tpu.memory_space<vmem_shared>>)
      tpu.yield
    }) : () -> ()
    "tpu.region"() ({
      %run_scoped3A = tpu.sem_alloc : memref<!tpu.dma_semaphore, #tpu.memory_space<semaphore_mem>>
      %dma_start3A_168 = arith.constant 0 : i32
      %dma_start3A_169 = tpu.memref_slice %arg3[%add3A, %dma_start3A_168] : memref<32x10240xi32, #tpu.memory_space<hbm>> -> memref<1x10240xi32, #tpu.memory_space<hbm>>
      %dma_start3A_170 = tpu.memref_squeeze %dma_start3A_169 : memref<1x10240xi32, #tpu.memory_space<hbm>> -> memref<10240xi32, #tpu.memory_space<hbm>>
      %dma_start3A_171 = arith.constant 0 : i32
      %dma_start3A_172 = tpu.memref_slice %arg3[%add3A, %dma_start3A_171] : memref<32x10240xi32, #tpu.memory_space<hbm>> -> memref<1x10240xi32, #tpu.memory_space<hbm>>
      %dma_start3A_173 = tpu.memref_squeeze %dma_start3A_172 : memref<1x10240xi32, #tpu.memory_space<hbm>> -> memref<10240xi32, #tpu.memory_space<hbm>>
      tpu.enqueue_dma source(%dma_start3A_173 : memref<10240xi32, #tpu.memory_space<hbm>>) target(%arg7 : memref<10240xi32, #tpu.memory_space<vmem>>) target_semaphore(%run_scoped3A : memref<!tpu.dma_semaphore, #tpu.memory_space<semaphore_mem>>)
      %dma_wait3A_174 = arith.constant 0 : i32
      %dma_wait3A_175 = tpu.memref_slice %arg3[%add3A, %dma_wait3A_174] : memref<32x10240xi32, #tpu.memory_space<hbm>> -> memref<1x10240xi32, #tpu.memory_space<hbm>>
      %dma_wait3A_176 = tpu.memref_squeeze %dma_wait3A_175 : memref<1x10240xi32, #tpu.memory_space<hbm>> -> memref<10240xi32, #tpu.memory_space<hbm>>
      %dma_wait3A_177 = arith.constant 0 : i32
      %dma_wait3A_178 = tpu.memref_slice %arg3[%add3A, %dma_wait3A_177] : memref<32x10240xi32, #tpu.memory_space<hbm>> -> memref<1x10240xi32, #tpu.memory_space<hbm>>
      %dma_wait3A_179 = tpu.memref_squeeze %dma_wait3A_178 : memref<1x10240xi32, #tpu.memory_space<hbm>> -> memref<10240xi32, #tpu.memory_space<hbm>>
      tpu.wait_dma2 semaphore(%run_scoped3A : memref<!tpu.dma_semaphore, #tpu.memory_space<semaphore_mem>>) src(%dma_wait3A_179 : memref<10240xi32, #tpu.memory_space<hbm>>) dst(%arg7 : memref<10240xi32, #tpu.memory_space<vmem>>)
      tpu.yield
    }) : () -> ()
    "tpu.region"() ({
      %run_scoped3A = tpu.sem_alloc : memref<!tpu.dma_semaphore, #tpu.memory_space<semaphore_mem>>
      %dma_start3A_168 = arith.constant 0 : i32
      %dma_start3A_169 = tpu.memref_slice %arg4[%add3A, %dma_start3A_168] : memref<32x10240xi32, #tpu.memory_space<hbm>> -> memref<1x10240xi32, #tpu.memory_space<hbm>>
      %dma_start3A_170 = tpu.memref_squeeze %dma_start3A_169 : memref<1x10240xi32, #tpu.memory_space<hbm>> -> memref<10240xi32, #tpu.memory_space<hbm>>
      %dma_start3A_171 = arith.constant 0 : i32
      %dma_start3A_172 = tpu.memref_slice %arg4[%add3A, %dma_start3A_171] : memref<32x10240xi32, #tpu.memory_space<hbm>> -> memref<1x10240xi32, #tpu.memory_space<hbm>>
      %dma_start3A_173 = tpu.memref_squeeze %dma_start3A_172 : memref<1x10240xi32, #tpu.memory_space<hbm>> -> memref<10240xi32, #tpu.memory_space<hbm>>
      tpu.enqueue_dma source(%dma_start3A_173 : memref<10240xi32, #tpu.memory_space<hbm>>) target(%arg8 : memref<10240xi32, #tpu.memory_space<vmem>>) target_semaphore(%run_scoped3A : memref<!tpu.dma_semaphore, #tpu.memory_space<semaphore_mem>>)
      %dma_wait3A_174 = arith.constant 0 : i32
      %dma_wait3A_175 = tpu.memref_slice %arg4[%add3A, %dma_wait3A_174] : memref<32x10240xi32, #tpu.memory_space<hbm>> -> memref<1x10240xi32, #tpu.memory_space<hbm>>
      %dma_wait3A_176 = tpu.memref_squeeze %dma_wait3A_175 : memref<1x10240xi32, #tpu.memory_space<hbm>> -> memref<10240xi32, #tpu.memory_space<hbm>>
      %dma_wait3A_177 = arith.constant 0 : i32
      %dma_wait3A_178 = tpu.memref_slice %arg4[%add3A, %dma_wait3A_177] : memref<32x10240xi32, #tpu.memory_space<hbm>> -> memref<1x10240xi32, #tpu.memory_space<hbm>>
      %dma_wait3A_179 = tpu.memref_squeeze %dma_wait3A_178 : memref<1x10240xi32, #tpu.memory_space<hbm>> -> memref<10240xi32, #tpu.memory_space<hbm>>
      tpu.wait_dma2 semaphore(%run_scoped3A : memref<!tpu.dma_semaphore, #tpu.memory_space<semaphore_mem>>) src(%dma_wait3A_179 : memref<10240xi32, #tpu.memory_space<hbm>>) dst(%arg8 : memref<10240xi32, #tpu.memory_space<vmem>>)
      tpu.yield
    }) : () -> ()
    %barrier3A = arith.constant 0 : index
    tpu.barrier barrier_id(%barrier3A)
    %dma_start3A = arith.constant 0 : i32
    %dma_start3A_3 = arith.constant 0 : i32
    %dma_start3A_4 = arith.constant 0 : i32
    %dma_start3A_5 = tpu.memref_slice %arg9[%dma_start3A, %dma_start3A_3, %dma_start3A_4] : memref<4x256x64xf32, #tpu.memory_space<vmem>> -> memref<1x256x64xf32, #tpu.memory_space<vmem>>
    %dma_start3A_6 = tpu.memref_squeeze %dma_start3A_5 : memref<1x256x64xf32, #tpu.memory_space<vmem>> -> memref<256x64xf32, #tpu.memory_space<vmem>>
    %dma_start3A_7 = arith.constant 0 : i32
    %dma_start3A_8 = tpu.memref_slice %arg7[%dma_start3A_7] : memref<10240xi32, #tpu.memory_space<vmem>> -> memref<256xi32, #tpu.memory_space<vmem>>
    %dma_start3A_9 = arith.constant 0 : i32
    %dma_start3A_10 = arith.constant 0 : i32
    %dma_start3A_11 = tpu.memref_slice %arg2[%dma_start3A_9, %dma_start3A_10] : memref<10240x64xf32, #tpu.memory_space<hbm>> -> memref<10240x64xf32, #tpu.memory_space<hbm>>
    tpu.enqueue_indirect_dma source(%dma_start3A_11 : memref<10240x64xf32, #tpu.memory_space<hbm>>) target(%dma_start3A_6 : memref<256x64xf32, #tpu.memory_space<vmem>>) offsets(%dma_start3A_8 : memref<256xi32, #tpu.memory_space<vmem>>) semaphore(%arg11 : memref<!tpu.dma_semaphore, #tpu.memory_space<semaphore_mem>>)
    %dma_start3A_12 = arith.constant 1 : i32
    %dma_start3A_13 = arith.constant 0 : i32
    %dma_start3A_14 = arith.constant 0 : i32
    %dma_start3A_15 = tpu.memref_slice %arg9[%dma_start3A_12, %dma_start3A_13, %dma_start3A_14] : memref<4x256x64xf32, #tpu.memory_space<vmem>> -> memref<1x256x64xf32, #tpu.memory_space<vmem>>
    %dma_start3A_16 = tpu.memref_squeeze %dma_start3A_15 : memref<1x256x64xf32, #tpu.memory_space<vmem>> -> memref<256x64xf32, #tpu.memory_space<vmem>>
    %dma_start3A_17 = arith.constant 256 : i32
    %dma_start3A_18 = tpu.memref_slice %arg7[%dma_start3A_17] : memref<10240xi32, #tpu.memory_space<vmem>> -> memref<256xi32, #tpu.memory_space<vmem>>
    %dma_start3A_19 = arith.constant 0 : i32
    %dma_start3A_20 = arith.constant 0 : i32
    %dma_start3A_21 = tpu.memref_slice %arg2[%dma_start3A_19, %dma_start3A_20] : memref<10240x64xf32, #tpu.memory_space<hbm>> -> memref<10240x64xf32, #tpu.memory_space<hbm>>
    tpu.enqueue_indirect_dma source(%dma_start3A_21 : memref<10240x64xf32, #tpu.memory_space<hbm>>) target(%dma_start3A_16 : memref<256x64xf32, #tpu.memory_space<vmem>>) offsets(%dma_start3A_18 : memref<256xi32, #tpu.memory_space<vmem>>) semaphore(%arg12 : memref<!tpu.dma_semaphore, #tpu.memory_space<semaphore_mem>>)
    %dma_start3A_22 = arith.constant 2 : i32
    %dma_start3A_23 = arith.constant 0 : i32
    %dma_start3A_24 = arith.constant 0 : i32
    %dma_start3A_25 = tpu.memref_slice %arg9[%dma_start3A_22, %dma_start3A_23, %dma_start3A_24] : memref<4x256x64xf32, #tpu.memory_space<vmem>> -> memref<1x256x64xf32, #tpu.memory_space<vmem>>
    %dma_start3A_26 = tpu.memref_squeeze %dma_start3A_25 : memref<1x256x64xf32, #tpu.memory_space<vmem>> -> memref<256x64xf32, #tpu.memory_space<vmem>>
    %dma_start3A_27 = arith.constant 512 : i32
    %dma_start3A_28 = tpu.memref_slice %arg7[%dma_start3A_27] : memref<10240xi32, #tpu.memory_space<vmem>> -> memref<256xi32, #tpu.memory_space<vmem>>
    %dma_start3A_29 = arith.constant 0 : i32
    %dma_start3A_30 = arith.constant 0 : i32
    %dma_start3A_31 = tpu.memref_slice %arg2[%dma_start3A_29, %dma_start3A_30] : memref<10240x64xf32, #tpu.memory_space<hbm>> -> memref<10240x64xf32, #tpu.memory_space<hbm>>
    tpu.enqueue_indirect_dma source(%dma_start3A_31 : memref<10240x64xf32, #tpu.memory_space<hbm>>) target(%dma_start3A_26 : memref<256x64xf32, #tpu.memory_space<vmem>>) offsets(%dma_start3A_28 : memref<256xi32, #tpu.memory_space<vmem>>) semaphore(%arg13 : memref<!tpu.dma_semaphore, #tpu.memory_space<semaphore_mem>>)
    %dma_start3A_32 = arith.constant 3 : i32
    %dma_start3A_33 = arith.constant 0 : i32
    %dma_start3A_34 = arith.constant 0 : i32
    %dma_start3A_35 = tpu.memref_slice %arg9[%dma_start3A_32, %dma_start3A_33, %dma_start3A_34] : memref<4x256x64xf32, #tpu.memory_space<vmem>> -> memref<1x256x64xf32, #tpu.memory_space<vmem>>
    %dma_start3A_36 = tpu.memref_squeeze %dma_start3A_35 : memref<1x256x64xf32, #tpu.memory_space<vmem>> -> memref<256x64xf32, #tpu.memory_space<vmem>>
    %dma_start3A_37 = arith.constant 768 : i32
    %dma_start3A_38 = tpu.memref_slice %arg7[%dma_start3A_37] : memref<10240xi32, #tpu.memory_space<vmem>> -> memref<256xi32, #tpu.memory_space<vmem>>
    %dma_start3A_39 = arith.constant 0 : i32
    %dma_start3A_40 = arith.constant 0 : i32
    %dma_start3A_41 = tpu.memref_slice %arg2[%dma_start3A_39, %dma_start3A_40] : memref<10240x64xf32, #tpu.memory_space<hbm>> -> memref<10240x64xf32, #tpu.memory_space<hbm>>
    tpu.enqueue_indirect_dma source(%dma_start3A_41 : memref<10240x64xf32, #tpu.memory_space<hbm>>) target(%dma_start3A_36 : memref<256x64xf32, #tpu.memory_space<vmem>>) offsets(%dma_start3A_38 : memref<256xi32, #tpu.memory_space<vmem>>) semaphore(%arg14 : memref<!tpu.dma_semaphore, #tpu.memory_space<semaphore_mem>>)
    %scan3A = arith.constant 0 : i32
    %scan3A_42 = arith.constant 0 : i32
    %scan3A_43 = arith.constant 9 : i32
    %scan3A_44 = arith.addi %scan3A_42, %scan3A_43 : i32
    %scan3A_45 = arith.constant 1 : i32
    %scan3A_46 = scf.for %scan3A_168 = %scan3A_42 to %scan3A_44 step %scan3A_45 iter_args(%scan3A_169 = %scan3A) -> (i32)  : i32 {
      %mul3A_170 = arith.constant 4 : i32
      %mul3A_171 = arith.muli %scan3A_168, %mul3A_170 : i32
      %add3A_172 = arith.constant 0 : i32
      %add3A_173 = arith.addi %mul3A_171, %add3A_172 : i32
      %mul3A_174 = arith.constant 256 : i32
      %mul3A_175 = arith.muli %add3A_173, %mul3A_174 : i32
      %dma_wait3A_176 = arith.constant 0 : i32
      %dma_wait3A_177 = arith.constant 0 : i32
      %dma_wait3A_178 = arith.constant 0 : i32
      %dma_wait3A_179 = tpu.memref_slice %arg9[%dma_wait3A_176, %dma_wait3A_177, %dma_wait3A_178] : memref<4x256x64xf32, #tpu.memory_space<vmem>> -> memref<1x256x64xf32, #tpu.memory_space<vmem>>
      %dma_wait3A_180 = tpu.memref_squeeze %dma_wait3A_179 : memref<1x256x64xf32, #tpu.memory_space<vmem>> -> memref<256x64xf32, #tpu.memory_space<vmem>>
      %dma_wait3A_181 = tpu.memref_slice %arg7[%mul3A_175] : memref<10240xi32, #tpu.memory_space<vmem>> -> memref<256xi32, #tpu.memory_space<vmem>>
      %dma_wait3A_182 = arith.constant 0 : i32
      %dma_wait3A_183 = arith.constant 0 : i32
      %dma_wait3A_184 = tpu.memref_slice %arg2[%dma_wait3A_182, %dma_wait3A_183] : memref<10240x64xf32, #tpu.memory_space<hbm>> -> memref<10240x64xf32, #tpu.memory_space<hbm>>
      tpu.wait_indirect_dma semaphore(%arg11 : memref<!tpu.dma_semaphore, #tpu.memory_space<semaphore_mem>>) src(%dma_wait3A_184 : memref<10240x64xf32, #tpu.memory_space<hbm>>) dst(%dma_wait3A_180 : memref<256x64xf32, #tpu.memory_space<vmem>>)
      %add3A_185 = arith.constant 0 : i32
      %add3A_186 = arith.addi %mul3A_171, %add3A_185 : i32
      %mul3A_187 = arith.constant 256 : i32
      %mul3A_188 = arith.muli %add3A_186, %mul3A_187 : i32
      %dma_start3A_189 = arith.constant 0 : i32
      %dma_start3A_190 = arith.constant 0 : i32
      %dma_start3A_191 = arith.constant 0 : i32
      %dma_start3A_192 = tpu.memref_slice %arg9[%dma_start3A_189, %dma_start3A_190, %dma_start3A_191] : memref<4x256x64xf32, #tpu.memory_space<vmem>> -> memref<1x256x64xf32, #tpu.memory_space<vmem>>
      %dma_start3A_193 = tpu.memref_squeeze %dma_start3A_192 : memref<1x256x64xf32, #tpu.memory_space<vmem>> -> memref<256x64xf32, #tpu.memory_space<vmem>>
      %dma_start3A_194 = tpu.memref_slice %arg8[%mul3A_188] : memref<10240xi32, #tpu.memory_space<vmem>> -> memref<256xi32, #tpu.memory_space<vmem>>
      %dma_start3A_195 = arith.constant 0 : i32
      %dma_start3A_196 = arith.constant 0 : i32
      %dma_start3A_197 = tpu.memref_slice %arg10[%dma_start3A_195, %dma_start3A_196] : memref<10240x64xf32, #tpu.memory_space<vmem_shared>> -> memref<10240x64xf32, #tpu.memory_space<vmem_shared>>
      tpu.enqueue_indirect_dma source(%dma_start3A_193 : memref<256x64xf32, #tpu.memory_space<vmem>>) target(%dma_start3A_197 : memref<10240x64xf32, #tpu.memory_space<vmem_shared>>) offsets(%dma_start3A_194 : memref<256xi32, #tpu.memory_space<vmem>>) semaphore(%arg15 : memref<!tpu.dma_semaphore, #tpu.memory_space<semaphore_mem>>) {add = true}
      %add3A_198 = arith.constant 1 : i32
      %add3A_199 = arith.addi %mul3A_171, %add3A_198 : i32
      %mul3A_200 = arith.constant 256 : i32
      %mul3A_201 = arith.muli %add3A_199, %mul3A_200 : i32
      %dma_wait3A_202 = arith.constant 1 : i32
      %dma_wait3A_203 = arith.constant 0 : i32
      %dma_wait3A_204 = arith.constant 0 : i32
      %dma_wait3A_205 = tpu.memref_slice %arg9[%dma_wait3A_202, %dma_wait3A_203, %dma_wait3A_204] : memref<4x256x64xf32, #tpu.memory_space<vmem>> -> memref<1x256x64xf32, #tpu.memory_space<vmem>>
      %dma_wait3A_206 = tpu.memref_squeeze %dma_wait3A_205 : memref<1x256x64xf32, #tpu.memory_space<vmem>> -> memref<256x64xf32, #tpu.memory_space<vmem>>
      %dma_wait3A_207 = tpu.memref_slice %arg7[%mul3A_201] : memref<10240xi32, #tpu.memory_space<vmem>> -> memref<256xi32, #tpu.memory_space<vmem>>
      %dma_wait3A_208 = arith.constant 0 : i32
      %dma_wait3A_209 = arith.constant 0 : i32
      %dma_wait3A_210 = tpu.memref_slice %arg2[%dma_wait3A_208, %dma_wait3A_209] : memref<10240x64xf32, #tpu.memory_space<hbm>> -> memref<10240x64xf32, #tpu.memory_space<hbm>>
      tpu.wait_indirect_dma semaphore(%arg12 : memref<!tpu.dma_semaphore, #tpu.memory_space<semaphore_mem>>) src(%dma_wait3A_210 : memref<10240x64xf32, #tpu.memory_space<hbm>>) dst(%dma_wait3A_206 : memref<256x64xf32, #tpu.memory_space<vmem>>)
      %add3A_211 = arith.constant 1 : i32
      %add3A_212 = arith.addi %mul3A_171, %add3A_211 : i32
      %mul3A_213 = arith.constant 256 : i32
      %mul3A_214 = arith.muli %add3A_212, %mul3A_213 : i32
      %dma_start3A_215 = arith.constant 1 : i32
      %dma_start3A_216 = arith.constant 0 : i32
      %dma_start3A_217 = arith.constant 0 : i32
      %dma_start3A_218 = tpu.memref_slice %arg9[%dma_start3A_215, %dma_start3A_216, %dma_start3A_217] : memref<4x256x64xf32, #tpu.memory_space<vmem>> -> memref<1x256x64xf32, #tpu.memory_space<vmem>>
      %dma_start3A_219 = tpu.memref_squeeze %dma_start3A_218 : memref<1x256x64xf32, #tpu.memory_space<vmem>> -> memref<256x64xf32, #tpu.memory_space<vmem>>
      %dma_start3A_220 = tpu.memref_slice %arg8[%mul3A_214] : memref<10240xi32, #tpu.memory_space<vmem>> -> memref<256xi32, #tpu.memory_space<vmem>>
      %dma_start3A_221 = arith.constant 0 : i32
      %dma_start3A_222 = arith.constant 0 : i32
      %dma_start3A_223 = tpu.memref_slice %arg10[%dma_start3A_221, %dma_start3A_222] : memref<10240x64xf32, #tpu.memory_space<vmem_shared>> -> memref<10240x64xf32, #tpu.memory_space<vmem_shared>>
      tpu.enqueue_indirect_dma source(%dma_start3A_219 : memref<256x64xf32, #tpu.memory_space<vmem>>) target(%dma_start3A_223 : memref<10240x64xf32, #tpu.memory_space<vmem_shared>>) offsets(%dma_start3A_220 : memref<256xi32, #tpu.memory_space<vmem>>) semaphore(%arg16 : memref<!tpu.dma_semaphore, #tpu.memory_space<semaphore_mem>>) {add = true}
      %add3A_224 = arith.constant 2 : i32
      %add3A_225 = arith.addi %mul3A_171, %add3A_224 : i32
      %mul3A_226 = arith.constant 256 : i32
      %mul3A_227 = arith.muli %add3A_225, %mul3A_226 : i32
      %dma_wait3A_228 = arith.constant 2 : i32
      %dma_wait3A_229 = arith.constant 0 : i32
      %dma_wait3A_230 = arith.constant 0 : i32
      %dma_wait3A_231 = tpu.memref_slice %arg9[%dma_wait3A_228, %dma_wait3A_229, %dma_wait3A_230] : memref<4x256x64xf32, #tpu.memory_space<vmem>> -> memref<1x256x64xf32, #tpu.memory_space<vmem>>
      %dma_wait3A_232 = tpu.memref_squeeze %dma_wait3A_231 : memref<1x256x64xf32, #tpu.memory_space<vmem>> -> memref<256x64xf32, #tpu.memory_space<vmem>>
      %dma_wait3A_233 = tpu.memref_slice %arg7[%mul3A_227] : memref<10240xi32, #tpu.memory_space<vmem>> -> memref<256xi32, #tpu.memory_space<vmem>>
      %dma_wait3A_234 = arith.constant 0 : i32
      %dma_wait3A_235 = arith.constant 0 : i32
      %dma_wait3A_236 = tpu.memref_slice %arg2[%dma_wait3A_234, %dma_wait3A_235] : memref<10240x64xf32, #tpu.memory_space<hbm>> -> memref<10240x64xf32, #tpu.memory_space<hbm>>
      tpu.wait_indirect_dma semaphore(%arg13 : memref<!tpu.dma_semaphore, #tpu.memory_space<semaphore_mem>>) src(%dma_wait3A_236 : memref<10240x64xf32, #tpu.memory_space<hbm>>) dst(%dma_wait3A_232 : memref<256x64xf32, #tpu.memory_space<vmem>>)
      %add3A_237 = arith.constant 2 : i32
      %add3A_238 = arith.addi %mul3A_171, %add3A_237 : i32
      %mul3A_239 = arith.constant 256 : i32
      %mul3A_240 = arith.muli %add3A_238, %mul3A_239 : i32
      %dma_start3A_241 = arith.constant 2 : i32
      %dma_start3A_242 = arith.constant 0 : i32
      %dma_start3A_243 = arith.constant 0 : i32
      %dma_start3A_244 = tpu.memref_slice %arg9[%dma_start3A_241, %dma_start3A_242, %dma_start3A_243] : memref<4x256x64xf32, #tpu.memory_space<vmem>> -> memref<1x256x64xf32, #tpu.memory_space<vmem>>
      %dma_start3A_245 = tpu.memref_squeeze %dma_start3A_244 : memref<1x256x64xf32, #tpu.memory_space<vmem>> -> memref<256x64xf32, #tpu.memory_space<vmem>>
      %dma_start3A_246 = tpu.memref_slice %arg8[%mul3A_240] : memref<10240xi32, #tpu.memory_space<vmem>> -> memref<256xi32, #tpu.memory_space<vmem>>
      %dma_start3A_247 = arith.constant 0 : i32
      %dma_start3A_248 = arith.constant 0 : i32
      %dma_start3A_249 = tpu.memref_slice %arg10[%dma_start3A_247, %dma_start3A_248] : memref<10240x64xf32, #tpu.memory_space<vmem_shared>> -> memref<10240x64xf32, #tpu.memory_space<vmem_shared>>
      tpu.enqueue_indirect_dma source(%dma_start3A_245 : memref<256x64xf32, #tpu.memory_space<vmem>>) target(%dma_start3A_249 : memref<10240x64xf32, #tpu.memory_space<vmem_shared>>) offsets(%dma_start3A_246 : memref<256xi32, #tpu.memory_space<vmem>>) semaphore(%arg17 : memref<!tpu.dma_semaphore, #tpu.memory_space<semaphore_mem>>) {add = true}
      %add3A_250 = arith.constant 3 : i32
      %add3A_251 = arith.addi %mul3A_171, %add3A_250 : i32
      %mul3A_252 = arith.constant 256 : i32
      %mul3A_253 = arith.muli %add3A_251, %mul3A_252 : i32
      %dma_wait3A_254 = arith.constant 3 : i32
      %dma_wait3A_255 = arith.constant 0 : i32
      %dma_wait3A_256 = arith.constant 0 : i32
      %dma_wait3A_257 = tpu.memref_slice %arg9[%dma_wait3A_254, %dma_wait3A_255, %dma_wait3A_256] : memref<4x256x64xf32, #tpu.memory_space<vmem>> -> memref<1x256x64xf32, #tpu.memory_space<vmem>>
      %dma_wait3A_258 = tpu.memref_squeeze %dma_wait3A_257 : memref<1x256x64xf32, #tpu.memory_space<vmem>> -> memref<256x64xf32, #tpu.memory_space<vmem>>
      %dma_wait3A_259 = tpu.memref_slice %arg7[%mul3A_253] : memref<10240xi32, #tpu.memory_space<vmem>> -> memref<256xi32, #tpu.memory_space<vmem>>
      %dma_wait3A_260 = arith.constant 0 : i32
      %dma_wait3A_261 = arith.constant 0 : i32
      %dma_wait3A_262 = tpu.memref_slice %arg2[%dma_wait3A_260, %dma_wait3A_261] : memref<10240x64xf32, #tpu.memory_space<hbm>> -> memref<10240x64xf32, #tpu.memory_space<hbm>>
      tpu.wait_indirect_dma semaphore(%arg14 : memref<!tpu.dma_semaphore, #tpu.memory_space<semaphore_mem>>) src(%dma_wait3A_262 : memref<10240x64xf32, #tpu.memory_space<hbm>>) dst(%dma_wait3A_258 : memref<256x64xf32, #tpu.memory_space<vmem>>)
      %add3A_263 = arith.constant 3 : i32
      %add3A_264 = arith.addi %mul3A_171, %add3A_263 : i32
      %mul3A_265 = arith.constant 256 : i32
      %mul3A_266 = arith.muli %add3A_264, %mul3A_265 : i32
      %dma_start3A_267 = arith.constant 3 : i32
      %dma_start3A_268 = arith.constant 0 : i32
      %dma_start3A_269 = arith.constant 0 : i32
      %dma_start3A_270 = tpu.memref_slice %arg9[%dma_start3A_267, %dma_start3A_268, %dma_start3A_269] : memref<4x256x64xf32, #tpu.memory_space<vmem>> -> memref<1x256x64xf32, #tpu.memory_space<vmem>>
      %dma_start3A_271 = tpu.memref_squeeze %dma_start3A_270 : memref<1x256x64xf32, #tpu.memory_space<vmem>> -> memref<256x64xf32, #tpu.memory_space<vmem>>
      %dma_start3A_272 = tpu.memref_slice %arg8[%mul3A_266] : memref<10240xi32, #tpu.memory_space<vmem>> -> memref<256xi32, #tpu.memory_space<vmem>>
      %dma_start3A_273 = arith.constant 0 : i32
      %dma_start3A_274 = arith.constant 0 : i32
      %dma_start3A_275 = tpu.memref_slice %arg10[%dma_start3A_273, %dma_start3A_274] : memref<10240x64xf32, #tpu.memory_space<vmem_shared>> -> memref<10240x64xf32, #tpu.memory_space<vmem_shared>>
      tpu.enqueue_indirect_dma source(%dma_start3A_271 : memref<256x64xf32, #tpu.memory_space<vmem>>) target(%dma_start3A_275 : memref<10240x64xf32, #tpu.memory_space<vmem_shared>>) offsets(%dma_start3A_272 : memref<256xi32, #tpu.memory_space<vmem>>) semaphore(%arg18 : memref<!tpu.dma_semaphore, #tpu.memory_space<semaphore_mem>>) {add = true}
      %add3A_276 = arith.constant 0 : i32
      %add3A_277 = arith.addi %mul3A_171, %add3A_276 : i32
      %mul3A_278 = arith.constant 256 : i32
      %mul3A_279 = arith.muli %add3A_277, %mul3A_278 : i32
      %dma_wait3A_280 = arith.constant 0 : i32
      %dma_wait3A_281 = arith.constant 0 : i32
      %dma_wait3A_282 = arith.constant 0 : i32
      %dma_wait3A_283 = tpu.memref_slice %arg9[%dma_wait3A_280, %dma_wait3A_281, %dma_wait3A_282] : memref<4x256x64xf32, #tpu.memory_space<vmem>> -> memref<1x256x64xf32, #tpu.memory_space<vmem>>
      %dma_wait3A_284 = tpu.memref_squeeze %dma_wait3A_283 : memref<1x256x64xf32, #tpu.memory_space<vmem>> -> memref<256x64xf32, #tpu.memory_space<vmem>>
      %dma_wait3A_285 = tpu.memref_slice %arg8[%mul3A_279] : memref<10240xi32, #tpu.memory_space<vmem>> -> memref<256xi32, #tpu.memory_space<vmem>>
      %dma_wait3A_286 = arith.constant 0 : i32
      %dma_wait3A_287 = arith.constant 0 : i32
      %dma_wait3A_288 = tpu.memref_slice %arg10[%dma_wait3A_286, %dma_wait3A_287] : memref<10240x64xf32, #tpu.memory_space<vmem_shared>> -> memref<10240x64xf32, #tpu.memory_space<vmem_shared>>
      tpu.wait_indirect_dma semaphore(%arg15 : memref<!tpu.dma_semaphore, #tpu.memory_space<semaphore_mem>>) src(%dma_wait3A_284 : memref<256x64xf32, #tpu.memory_space<vmem>>) dst(%dma_wait3A_288 : memref<10240x64xf32, #tpu.memory_space<vmem_shared>>)
      %add3A_289 = arith.constant 0 : i32
      %add3A_290 = arith.addi %mul3A_171, %add3A_289 : i32
      %add3A_291 = arith.constant 4 : i32
      %add3A_292 = arith.addi %add3A_290, %add3A_291 : i32
      %mul3A_293 = arith.constant 256 : i32
      %mul3A_294 = arith.muli %add3A_292, %mul3A_293 : i32
      %dma_start3A_295 = arith.constant 0 : i32
      %dma_start3A_296 = arith.constant 0 : i32
      %dma_start3A_297 = arith.constant 0 : i32
      %dma_start3A_298 = tpu.memref_slice %arg9[%dma_start3A_295, %dma_start3A_296, %dma_start3A_297] : memref<4x256x64xf32, #tpu.memory_space<vmem>> -> memref<1x256x64xf32, #tpu.memory_space<vmem>>
      %dma_start3A_299 = tpu.memref_squeeze %dma_start3A_298 : memref<1x256x64xf32, #tpu.memory_space<vmem>> -> memref<256x64xf32, #tpu.memory_space<vmem>>
      %dma_start3A_300 = tpu.memref_slice %arg7[%mul3A_294] : memref<10240xi32, #tpu.memory_space<vmem>> -> memref<256xi32, #tpu.memory_space<vmem>>
      %dma_start3A_301 = arith.constant 0 : i32
      %dma_start3A_302 = arith.constant 0 : i32
      %dma_start3A_303 = tpu.memref_slice %arg2[%dma_start3A_301, %dma_start3A_302] : memref<10240x64xf32, #tpu.memory_space<hbm>> -> memref<10240x64xf32, #tpu.memory_space<hbm>>
      tpu.enqueue_indirect_dma source(%dma_start3A_303 : memref<10240x64xf32, #tpu.memory_space<hbm>>) target(%dma_start3A_299 : memref<256x64xf32, #tpu.memory_space<vmem>>) offsets(%dma_start3A_300 : memref<256xi32, #tpu.memory_space<vmem>>) semaphore(%arg11 : memref<!tpu.dma_semaphore, #tpu.memory_space<semaphore_mem>>)
      %add3A_304 = arith.constant 1 : i32
      %add3A_305 = arith.addi %mul3A_171, %add3A_304 : i32
      %mul3A_306 = arith.constant 256 : i32
      %mul3A_307 = arith.muli %add3A_305, %mul3A_306 : i32
      %dma_wait3A_308 = arith.constant 1 : i32
      %dma_wait3A_309 = arith.constant 0 : i32
      %dma_wait3A_310 = arith.constant 0 : i32
      %dma_wait3A_311 = tpu.memref_slice %arg9[%dma_wait3A_308, %dma_wait3A_309, %dma_wait3A_310] : memref<4x256x64xf32, #tpu.memory_space<vmem>> -> memref<1x256x64xf32, #tpu.memory_space<vmem>>
      %dma_wait3A_312 = tpu.memref_squeeze %dma_wait3A_311 : memref<1x256x64xf32, #tpu.memory_space<vmem>> -> memref<256x64xf32, #tpu.memory_space<vmem>>
      %dma_wait3A_313 = tpu.memref_slice %arg8[%mul3A_307] : memref<10240xi32, #tpu.memory_space<vmem>> -> memref<256xi32, #tpu.memory_space<vmem>>
      %dma_wait3A_314 = arith.constant 0 : i32
      %dma_wait3A_315 = arith.constant 0 : i32
      %dma_wait3A_316 = tpu.memref_slice %arg10[%dma_wait3A_314, %dma_wait3A_315] : memref<10240x64xf32, #tpu.memory_space<vmem_shared>> -> memref<10240x64xf32, #tpu.memory_space<vmem_shared>>
      tpu.wait_indirect_dma semaphore(%arg16 : memref<!tpu.dma_semaphore, #tpu.memory_space<semaphore_mem>>) src(%dma_wait3A_312 : memref<256x64xf32, #tpu.memory_space<vmem>>) dst(%dma_wait3A_316 : memref<10240x64xf32, #tpu.memory_space<vmem_shared>>)
      %add3A_317 = arith.constant 1 : i32
      %add3A_318 = arith.addi %mul3A_171, %add3A_317 : i32
      %add3A_319 = arith.constant 4 : i32
      %add3A_320 = arith.addi %add3A_318, %add3A_319 : i32
      %mul3A_321 = arith.constant 256 : i32
      %mul3A_322 = arith.muli %add3A_320, %mul3A_321 : i32
      %dma_start3A_323 = arith.constant 1 : i32
      %dma_start3A_324 = arith.constant 0 : i32
      %dma_start3A_325 = arith.constant 0 : i32
      %dma_start3A_326 = tpu.memref_slice %arg9[%dma_start3A_323, %dma_start3A_324, %dma_start3A_325] : memref<4x256x64xf32, #tpu.memory_space<vmem>> -> memref<1x256x64xf32, #tpu.memory_space<vmem>>
      %dma_start3A_327 = tpu.memref_squeeze %dma_start3A_326 : memref<1x256x64xf32, #tpu.memory_space<vmem>> -> memref<256x64xf32, #tpu.memory_space<vmem>>
      %dma_start3A_328 = tpu.memref_slice %arg7[%mul3A_322] : memref<10240xi32, #tpu.memory_space<vmem>> -> memref<256xi32, #tpu.memory_space<vmem>>
      %dma_start3A_329 = arith.constant 0 : i32
      %dma_start3A_330 = arith.constant 0 : i32
      %dma_start3A_331 = tpu.memref_slice %arg2[%dma_start3A_329, %dma_start3A_330] : memref<10240x64xf32, #tpu.memory_space<hbm>> -> memref<10240x64xf32, #tpu.memory_space<hbm>>
      tpu.enqueue_indirect_dma source(%dma_start3A_331 : memref<10240x64xf32, #tpu.memory_space<hbm>>) target(%dma_start3A_327 : memref<256x64xf32, #tpu.memory_space<vmem>>) offsets(%dma_start3A_328 : memref<256xi32, #tpu.memory_space<vmem>>) semaphore(%arg12 : memref<!tpu.dma_semaphore, #tpu.memory_space<semaphore_mem>>)
      %add3A_332 = arith.constant 2 : i32
      %add3A_333 = arith.addi %mul3A_171, %add3A_332 : i32
      %mul3A_334 = arith.constant 256 : i32
      %mul3A_335 = arith.muli %add3A_333, %mul3A_334 : i32
      %dma_wait3A_336 = arith.constant 2 : i32
      %dma_wait3A_337 = arith.constant 0 : i32
      %dma_wait3A_338 = arith.constant 0 : i32
      %dma_wait3A_339 = tpu.memref_slice %arg9[%dma_wait3A_336, %dma_wait3A_337, %dma_wait3A_338] : memref<4x256x64xf32, #tpu.memory_space<vmem>> -> memref<1x256x64xf32, #tpu.memory_space<vmem>>
      %dma_wait3A_340 = tpu.memref_squeeze %dma_wait3A_339 : memref<1x256x64xf32, #tpu.memory_space<vmem>> -> memref<256x64xf32, #tpu.memory_space<vmem>>
      %dma_wait3A_341 = tpu.memref_slice %arg8[%mul3A_335] : memref<10240xi32, #tpu.memory_space<vmem>> -> memref<256xi32, #tpu.memory_space<vmem>>
      %dma_wait3A_342 = arith.constant 0 : i32
      %dma_wait3A_343 = arith.constant 0 : i32
      %dma_wait3A_344 = tpu.memref_slice %arg10[%dma_wait3A_342, %dma_wait3A_343] : memref<10240x64xf32, #tpu.memory_space<vmem_shared>> -> memref<10240x64xf32, #tpu.memory_space<vmem_shared>>
      tpu.wait_indirect_dma semaphore(%arg17 : memref<!tpu.dma_semaphore, #tpu.memory_space<semaphore_mem>>) src(%dma_wait3A_340 : memref<256x64xf32, #tpu.memory_space<vmem>>) dst(%dma_wait3A_344 : memref<10240x64xf32, #tpu.memory_space<vmem_shared>>)
      %add3A_345 = arith.constant 2 : i32
      %add3A_346 = arith.addi %mul3A_171, %add3A_345 : i32
      %add3A_347 = arith.constant 4 : i32
      %add3A_348 = arith.addi %add3A_346, %add3A_347 : i32
      %mul3A_349 = arith.constant 256 : i32
      %mul3A_350 = arith.muli %add3A_348, %mul3A_349 : i32
      %dma_start3A_351 = arith.constant 2 : i32
      %dma_start3A_352 = arith.constant 0 : i32
      %dma_start3A_353 = arith.constant 0 : i32
      %dma_start3A_354 = tpu.memref_slice %arg9[%dma_start3A_351, %dma_start3A_352, %dma_start3A_353] : memref<4x256x64xf32, #tpu.memory_space<vmem>> -> memref<1x256x64xf32, #tpu.memory_space<vmem>>
      %dma_start3A_355 = tpu.memref_squeeze %dma_start3A_354 : memref<1x256x64xf32, #tpu.memory_space<vmem>> -> memref<256x64xf32, #tpu.memory_space<vmem>>
      %dma_start3A_356 = tpu.memref_slice %arg7[%mul3A_350] : memref<10240xi32, #tpu.memory_space<vmem>> -> memref<256xi32, #tpu.memory_space<vmem>>
      %dma_start3A_357 = arith.constant 0 : i32
      %dma_start3A_358 = arith.constant 0 : i32
      %dma_start3A_359 = tpu.memref_slice %arg2[%dma_start3A_357, %dma_start3A_358] : memref<10240x64xf32, #tpu.memory_space<hbm>> -> memref<10240x64xf32, #tpu.memory_space<hbm>>
      tpu.enqueue_indirect_dma source(%dma_start3A_359 : memref<10240x64xf32, #tpu.memory_space<hbm>>) target(%dma_start3A_355 : memref<256x64xf32, #tpu.memory_space<vmem>>) offsets(%dma_start3A_356 : memref<256xi32, #tpu.memory_space<vmem>>) semaphore(%arg13 : memref<!tpu.dma_semaphore, #tpu.memory_space<semaphore_mem>>)
      %add3A_360 = arith.constant 3 : i32
      %add3A_361 = arith.addi %mul3A_171, %add3A_360 : i32
      %mul3A_362 = arith.constant 256 : i32
      %mul3A_363 = arith.muli %add3A_361, %mul3A_362 : i32
      %dma_wait3A_364 = arith.constant 3 : i32
      %dma_wait3A_365 = arith.constant 0 : i32
      %dma_wait3A_366 = arith.constant 0 : i32
      %dma_wait3A_367 = tpu.memref_slice %arg9[%dma_wait3A_364, %dma_wait3A_365, %dma_wait3A_366] : memref<4x256x64xf32, #tpu.memory_space<vmem>> -> memref<1x256x64xf32, #tpu.memory_space<vmem>>
      %dma_wait3A_368 = tpu.memref_squeeze %dma_wait3A_367 : memref<1x256x64xf32, #tpu.memory_space<vmem>> -> memref<256x64xf32, #tpu.memory_space<vmem>>
      %dma_wait3A_369 = tpu.memref_slice %arg8[%mul3A_363] : memref<10240xi32, #tpu.memory_space<vmem>> -> memref<256xi32, #tpu.memory_space<vmem>>
      %dma_wait3A_370 = arith.constant 0 : i32
      %dma_wait3A_371 = arith.constant 0 : i32
      %dma_wait3A_372 = tpu.memref_slice %arg10[%dma_wait3A_370, %dma_wait3A_371] : memref<10240x64xf32, #tpu.memory_space<vmem_shared>> -> memref<10240x64xf32, #tpu.memory_space<vmem_shared>>
      tpu.wait_indirect_dma semaphore(%arg18 : memref<!tpu.dma_semaphore, #tpu.memory_space<semaphore_mem>>) src(%dma_wait3A_368 : memref<256x64xf32, #tpu.memory_space<vmem>>) dst(%dma_wait3A_372 : memref<10240x64xf32, #tpu.memory_space<vmem_shared>>)
      %add3A_373 = arith.constant 3 : i32
      %add3A_374 = arith.addi %mul3A_171, %add3A_373 : i32
      %add3A_375 = arith.constant 4 : i32
      %add3A_376 = arith.addi %add3A_374, %add3A_375 : i32
      %mul3A_377 = arith.constant 256 : i32
      %mul3A_378 = arith.muli %add3A_376, %mul3A_377 : i32
      %dma_start3A_379 = arith.constant 3 : i32
      %dma_start3A_380 = arith.constant 0 : i32
      %dma_start3A_381 = arith.constant 0 : i32
      %dma_start3A_382 = tpu.memref_slice %arg9[%dma_start3A_379, %dma_start3A_380, %dma_start3A_381] : memref<4x256x64xf32, #tpu.memory_space<vmem>> -> memref<1x256x64xf32, #tpu.memory_space<vmem>>
      %dma_start3A_383 = tpu.memref_squeeze %dma_start3A_382 : memref<1x256x64xf32, #tpu.memory_space<vmem>> -> memref<256x64xf32, #tpu.memory_space<vmem>>
      %dma_start3A_384 = tpu.memref_slice %arg7[%mul3A_378] : memref<10240xi32, #tpu.memory_space<vmem>> -> memref<256xi32, #tpu.memory_space<vmem>>
      %dma_start3A_385 = arith.constant 0 : i32
      %dma_start3A_386 = arith.constant 0 : i32
      %dma_start3A_387 = tpu.memref_slice %arg2[%dma_start3A_385, %dma_start3A_386] : memref<10240x64xf32, #tpu.memory_space<hbm>> -> memref<10240x64xf32, #tpu.memory_space<hbm>>
      tpu.enqueue_indirect_dma source(%dma_start3A_387 : memref<10240x64xf32, #tpu.memory_space<hbm>>) target(%dma_start3A_383 : memref<256x64xf32, #tpu.memory_space<vmem>>) offsets(%dma_start3A_384 : memref<256xi32, #tpu.memory_space<vmem>>) semaphore(%arg14 : memref<!tpu.dma_semaphore, #tpu.memory_space<semaphore_mem>>)
      %scan3A_388 = arith.constant 0 : i32
      scf.yield %scan3A_388 : i32
    }
    %scan3A_47 = arith.constant 9 : i32
    %dma_wait3A = arith.constant 0 : i32
    %dma_wait3A_48 = arith.constant 0 : i32
    %dma_wait3A_49 = arith.constant 0 : i32
    %dma_wait3A_50 = tpu.memref_slice %arg9[%dma_wait3A, %dma_wait3A_48, %dma_wait3A_49] : memref<4x256x64xf32, #tpu.memory_space<vmem>> -> memref<1x256x64xf32, #tpu.memory_space<vmem>>
    %dma_wait3A_51 = tpu.memref_squeeze %dma_wait3A_50 : memref<1x256x64xf32, #tpu.memory_space<vmem>> -> memref<256x64xf32, #tpu.memory_space<vmem>>
    %dma_wait3A_52 = arith.constant 9216 : i32
    %dma_wait3A_53 = tpu.memref_slice %arg7[%dma_wait3A_52] : memref<10240xi32, #tpu.memory_space<vmem>> -> memref<256xi32, #tpu.memory_space<vmem>>
    %dma_wait3A_54 = arith.constant 0 : i32
    %dma_wait3A_55 = arith.constant 0 : i32
    %dma_wait3A_56 = tpu.memref_slice %arg2[%dma_wait3A_54, %dma_wait3A_55] : memref<10240x64xf32, #tpu.memory_space<hbm>> -> memref<10240x64xf32, #tpu.memory_space<hbm>>
    tpu.wait_indirect_dma semaphore(%arg11 : memref<!tpu.dma_semaphore, #tpu.memory_space<semaphore_mem>>) src(%dma_wait3A_56 : memref<10240x64xf32, #tpu.memory_space<hbm>>) dst(%dma_wait3A_51 : memref<256x64xf32, #tpu.memory_space<vmem>>)
    %dma_start3A_57 = arith.constant 0 : i32
    %dma_start3A_58 = arith.constant 0 : i32
    %dma_start3A_59 = arith.constant 0 : i32
    %dma_start3A_60 = tpu.memref_slice %arg9[%dma_start3A_57, %dma_start3A_58, %dma_start3A_59] : memref<4x256x64xf32, #tpu.memory_space<vmem>> -> memref<1x256x64xf32, #tpu.memory_space<vmem>>
    %dma_start3A_61 = tpu.memref_squeeze %dma_start3A_60 : memref<1x256x64xf32, #tpu.memory_space<vmem>> -> memref<256x64xf32, #tpu.memory_space<vmem>>
    %dma_start3A_62 = arith.constant 9216 : i32
    %dma_start3A_63 = tpu.memref_slice %arg8[%dma_start3A_62] : memref<10240xi32, #tpu.memory_space<vmem>> -> memref<256xi32, #tpu.memory_space<vmem>>
    %dma_start3A_64 = arith.constant 0 : i32
    %dma_start3A_65 = arith.constant 0 : i32
    %dma_start3A_66 = tpu.memref_slice %arg10[%dma_start3A_64, %dma_start3A_65] : memref<10240x64xf32, #tpu.memory_space<vmem_shared>> -> memref<10240x64xf32, #tpu.memory_space<vmem_shared>>
    tpu.enqueue_indirect_dma source(%dma_start3A_61 : memref<256x64xf32, #tpu.memory_space<vmem>>) target(%dma_start3A_66 : memref<10240x64xf32, #tpu.memory_space<vmem_shared>>) offsets(%dma_start3A_63 : memref<256xi32, #tpu.memory_space<vmem>>) semaphore(%arg15 : memref<!tpu.dma_semaphore, #tpu.memory_space<semaphore_mem>>) {add = true}
    %dma_wait3A_67 = arith.constant 1 : i32
    %dma_wait3A_68 = arith.constant 0 : i32
    %dma_wait3A_69 = arith.constant 0 : i32
    %dma_wait3A_70 = tpu.memref_slice %arg9[%dma_wait3A_67, %dma_wait3A_68, %dma_wait3A_69] : memref<4x256x64xf32, #tpu.memory_space<vmem>> -> memref<1x256x64xf32, #tpu.memory_space<vmem>>
    %dma_wait3A_71 = tpu.memref_squeeze %dma_wait3A_70 : memref<1x256x64xf32, #tpu.memory_space<vmem>> -> memref<256x64xf32, #tpu.memory_space<vmem>>
    %dma_wait3A_72 = arith.constant 9472 : i32
    %dma_wait3A_73 = tpu.memref_slice %arg7[%dma_wait3A_72] : memref<10240xi32, #tpu.memory_space<vmem>> -> memref<256xi32, #tpu.memory_space<vmem>>
    %dma_wait3A_74 = arith.constant 0 : i32
    %dma_wait3A_75 = arith.constant 0 : i32
    %dma_wait3A_76 = tpu.memref_slice %arg2[%dma_wait3A_74, %dma_wait3A_75] : memref<10240x64xf32, #tpu.memory_space<hbm>> -> memref<10240x64xf32, #tpu.memory_space<hbm>>
    tpu.wait_indirect_dma semaphore(%arg12 : memref<!tpu.dma_semaphore, #tpu.memory_space<semaphore_mem>>) src(%dma_wait3A_76 : memref<10240x64xf32, #tpu.memory_space<hbm>>) dst(%dma_wait3A_71 : memref<256x64xf32, #tpu.memory_space<vmem>>)
    %dma_start3A_77 = arith.constant 1 : i32
    %dma_start3A_78 = arith.constant 0 : i32
    %dma_start3A_79 = arith.constant 0 : i32
    %dma_start3A_80 = tpu.memref_slice %arg9[%dma_start3A_77, %dma_start3A_78, %dma_start3A_79] : memref<4x256x64xf32, #tpu.memory_space<vmem>> -> memref<1x256x64xf32, #tpu.memory_space<vmem>>
    %dma_start3A_81 = tpu.memref_squeeze %dma_start3A_80 : memref<1x256x64xf32, #tpu.memory_space<vmem>> -> memref<256x64xf32, #tpu.memory_space<vmem>>
    %dma_start3A_82 = arith.constant 9472 : i32
    %dma_start3A_83 = tpu.memref_slice %arg8[%dma_start3A_82] : memref<10240xi32, #tpu.memory_space<vmem>> -> memref<256xi32, #tpu.memory_space<vmem>>
    %dma_start3A_84 = arith.constant 0 : i32
    %dma_start3A_85 = arith.constant 0 : i32
    %dma_start3A_86 = tpu.memref_slice %arg10[%dma_start3A_84, %dma_start3A_85] : memref<10240x64xf32, #tpu.memory_space<vmem_shared>> -> memref<10240x64xf32, #tpu.memory_space<vmem_shared>>
    tpu.enqueue_indirect_dma source(%dma_start3A_81 : memref<256x64xf32, #tpu.memory_space<vmem>>) target(%dma_start3A_86 : memref<10240x64xf32, #tpu.memory_space<vmem_shared>>) offsets(%dma_start3A_83 : memref<256xi32, #tpu.memory_space<vmem>>) semaphore(%arg16 : memref<!tpu.dma_semaphore, #tpu.memory_space<semaphore_mem>>) {add = true}
    %dma_wait3A_87 = arith.constant 2 : i32
    %dma_wait3A_88 = arith.constant 0 : i32
    %dma_wait3A_89 = arith.constant 0 : i32
    %dma_wait3A_90 = tpu.memref_slice %arg9[%dma_wait3A_87, %dma_wait3A_88, %dma_wait3A_89] : memref<4x256x64xf32, #tpu.memory_space<vmem>> -> memref<1x256x64xf32, #tpu.memory_space<vmem>>
    %dma_wait3A_91 = tpu.memref_squeeze %dma_wait3A_90 : memref<1x256x64xf32, #tpu.memory_space<vmem>> -> memref<256x64xf32, #tpu.memory_space<vmem>>
    %dma_wait3A_92 = arith.constant 9728 : i32
    %dma_wait3A_93 = tpu.memref_slice %arg7[%dma_wait3A_92] : memref<10240xi32, #tpu.memory_space<vmem>> -> memref<256xi32, #tpu.memory_space<vmem>>
    %dma_wait3A_94 = arith.constant 0 : i32
    %dma_wait3A_95 = arith.constant 0 : i32
    %dma_wait3A_96 = tpu.memref_slice %arg2[%dma_wait3A_94, %dma_wait3A_95] : memref<10240x64xf32, #tpu.memory_space<hbm>> -> memref<10240x64xf32, #tpu.memory_space<hbm>>
    tpu.wait_indirect_dma semaphore(%arg13 : memref<!tpu.dma_semaphore, #tpu.memory_space<semaphore_mem>>) src(%dma_wait3A_96 : memref<10240x64xf32, #tpu.memory_space<hbm>>) dst(%dma_wait3A_91 : memref<256x64xf32, #tpu.memory_space<vmem>>)
    %dma_start3A_97 = arith.constant 2 : i32
    %dma_start3A_98 = arith.constant 0 : i32
    %dma_start3A_99 = arith.constant 0 : i32
    %dma_start3A_100 = tpu.memref_slice %arg9[%dma_start3A_97, %dma_start3A_98, %dma_start3A_99] : memref<4x256x64xf32, #tpu.memory_space<vmem>> -> memref<1x256x64xf32, #tpu.memory_space<vmem>>
    %dma_start3A_101 = tpu.memref_squeeze %dma_start3A_100 : memref<1x256x64xf32, #tpu.memory_space<vmem>> -> memref<256x64xf32, #tpu.memory_space<vmem>>
    %dma_start3A_102 = arith.constant 9728 : i32
    %dma_start3A_103 = tpu.memref_slice %arg8[%dma_start3A_102] : memref<10240xi32, #tpu.memory_space<vmem>> -> memref<256xi32, #tpu.memory_space<vmem>>
    %dma_start3A_104 = arith.constant 0 : i32
    %dma_start3A_105 = arith.constant 0 : i32
    %dma_start3A_106 = tpu.memref_slice %arg10[%dma_start3A_104, %dma_start3A_105] : memref<10240x64xf32, #tpu.memory_space<vmem_shared>> -> memref<10240x64xf32, #tpu.memory_space<vmem_shared>>
    tpu.enqueue_indirect_dma source(%dma_start3A_101 : memref<256x64xf32, #tpu.memory_space<vmem>>) target(%dma_start3A_106 : memref<10240x64xf32, #tpu.memory_space<vmem_shared>>) offsets(%dma_start3A_103 : memref<256xi32, #tpu.memory_space<vmem>>) semaphore(%arg17 : memref<!tpu.dma_semaphore, #tpu.memory_space<semaphore_mem>>) {add = true}
    %dma_wait3A_107 = arith.constant 3 : i32
    %dma_wait3A_108 = arith.constant 0 : i32
    %dma_wait3A_109 = arith.constant 0 : i32
    %dma_wait3A_110 = tpu.memref_slice %arg9[%dma_wait3A_107, %dma_wait3A_108, %dma_wait3A_109] : memref<4x256x64xf32, #tpu.memory_space<vmem>> -> memref<1x256x64xf32, #tpu.memory_space<vmem>>
    %dma_wait3A_111 = tpu.memref_squeeze %dma_wait3A_110 : memref<1x256x64xf32, #tpu.memory_space<vmem>> -> memref<256x64xf32, #tpu.memory_space<vmem>>
    %dma_wait3A_112 = arith.constant 9984 : i32
    %dma_wait3A_113 = tpu.memref_slice %arg7[%dma_wait3A_112] : memref<10240xi32, #tpu.memory_space<vmem>> -> memref<256xi32, #tpu.memory_space<vmem>>
    %dma_wait3A_114 = arith.constant 0 : i32
    %dma_wait3A_115 = arith.constant 0 : i32
    %dma_wait3A_116 = tpu.memref_slice %arg2[%dma_wait3A_114, %dma_wait3A_115] : memref<10240x64xf32, #tpu.memory_space<hbm>> -> memref<10240x64xf32, #tpu.memory_space<hbm>>
    tpu.wait_indirect_dma semaphore(%arg14 : memref<!tpu.dma_semaphore, #tpu.memory_space<semaphore_mem>>) src(%dma_wait3A_116 : memref<10240x64xf32, #tpu.memory_space<hbm>>) dst(%dma_wait3A_111 : memref<256x64xf32, #tpu.memory_space<vmem>>)
    %dma_start3A_117 = arith.constant 3 : i32
    %dma_start3A_118 = arith.constant 0 : i32
    %dma_start3A_119 = arith.constant 0 : i32
    %dma_start3A_120 = tpu.memref_slice %arg9[%dma_start3A_117, %dma_start3A_118, %dma_start3A_119] : memref<4x256x64xf32, #tpu.memory_space<vmem>> -> memref<1x256x64xf32, #tpu.memory_space<vmem>>
    %dma_start3A_121 = tpu.memref_squeeze %dma_start3A_120 : memref<1x256x64xf32, #tpu.memory_space<vmem>> -> memref<256x64xf32, #tpu.memory_space<vmem>>
    %dma_start3A_122 = arith.constant 9984 : i32
    %dma_start3A_123 = tpu.memref_slice %arg8[%dma_start3A_122] : memref<10240xi32, #tpu.memory_space<vmem>> -> memref<256xi32, #tpu.memory_space<vmem>>
    %dma_start3A_124 = arith.constant 0 : i32
    %dma_start3A_125 = arith.constant 0 : i32
    %dma_start3A_126 = tpu.memref_slice %arg10[%dma_start3A_124, %dma_start3A_125] : memref<10240x64xf32, #tpu.memory_space<vmem_shared>> -> memref<10240x64xf32, #tpu.memory_space<vmem_shared>>
    tpu.enqueue_indirect_dma source(%dma_start3A_121 : memref<256x64xf32, #tpu.memory_space<vmem>>) target(%dma_start3A_126 : memref<10240x64xf32, #tpu.memory_space<vmem_shared>>) offsets(%dma_start3A_123 : memref<256xi32, #tpu.memory_space<vmem>>) semaphore(%arg18 : memref<!tpu.dma_semaphore, #tpu.memory_space<semaphore_mem>>) {add = true}
    %dma_wait3A_127 = arith.constant 0 : i32
    %dma_wait3A_128 = arith.constant 0 : i32
    %dma_wait3A_129 = arith.constant 0 : i32
    %dma_wait3A_130 = tpu.memref_slice %arg9[%dma_wait3A_127, %dma_wait3A_128, %dma_wait3A_129] : memref<4x256x64xf32, #tpu.memory_space<vmem>> -> memref<1x256x64xf32, #tpu.memory_space<vmem>>
    %dma_wait3A_131 = tpu.memref_squeeze %dma_wait3A_130 : memref<1x256x64xf32, #tpu.memory_space<vmem>> -> memref<256x64xf32, #tpu.memory_space<vmem>>
    %dma_wait3A_132 = arith.constant 9216 : i32
    %dma_wait3A_133 = tpu.memref_slice %arg8[%dma_wait3A_132] : memref<10240xi32, #tpu.memory_space<vmem>> -> memref<256xi32, #tpu.memory_space<vmem>>
    %dma_wait3A_134 = arith.constant 0 : i32
    %dma_wait3A_135 = arith.constant 0 : i32
    %dma_wait3A_136 = tpu.memref_slice %arg10[%dma_wait3A_134, %dma_wait3A_135] : memref<10240x64xf32, #tpu.memory_space<vmem_shared>> -> memref<10240x64xf32, #tpu.memory_space<vmem_shared>>
    tpu.wait_indirect_dma semaphore(%arg15 : memref<!tpu.dma_semaphore, #tpu.memory_space<semaphore_mem>>) src(%dma_wait3A_131 : memref<256x64xf32, #tpu.memory_space<vmem>>) dst(%dma_wait3A_136 : memref<10240x64xf32, #tpu.memory_space<vmem_shared>>)
    %dma_wait3A_137 = arith.constant 1 : i32
    %dma_wait3A_138 = arith.constant 0 : i32
    %dma_wait3A_139 = arith.constant 0 : i32
    %dma_wait3A_140 = tpu.memref_slice %arg9[%dma_wait3A_137, %dma_wait3A_138, %dma_wait3A_139] : memref<4x256x64xf32, #tpu.memory_space<vmem>> -> memref<1x256x64xf32, #tpu.memory_space<vmem>>
    %dma_wait3A_141 = tpu.memref_squeeze %dma_wait3A_140 : memref<1x256x64xf32, #tpu.memory_space<vmem>> -> memref<256x64xf32, #tpu.memory_space<vmem>>
    %dma_wait3A_142 = arith.constant 9472 : i32
    %dma_wait3A_143 = tpu.memref_slice %arg8[%dma_wait3A_142] : memref<10240xi32, #tpu.memory_space<vmem>> -> memref<256xi32, #tpu.memory_space<vmem>>
    %dma_wait3A_144 = arith.constant 0 : i32
    %dma_wait3A_145 = arith.constant 0 : i32
    %dma_wait3A_146 = tpu.memref_slice %arg10[%dma_wait3A_144, %dma_wait3A_145] : memref<10240x64xf32, #tpu.memory_space<vmem_shared>> -> memref<10240x64xf32, #tpu.memory_space<vmem_shared>>
    tpu.wait_indirect_dma semaphore(%arg16 : memref<!tpu.dma_semaphore, #tpu.memory_space<semaphore_mem>>) src(%dma_wait3A_141 : memref<256x64xf32, #tpu.memory_space<vmem>>) dst(%dma_wait3A_146 : memref<10240x64xf32, #tpu.memory_space<vmem_shared>>)
    %dma_wait3A_147 = arith.constant 2 : i32
    %dma_wait3A_148 = arith.constant 0 : i32
    %dma_wait3A_149 = arith.constant 0 : i32
    %dma_wait3A_150 = tpu.memref_slice %arg9[%dma_wait3A_147, %dma_wait3A_148, %dma_wait3A_149] : memref<4x256x64xf32, #tpu.memory_space<vmem>> -> memref<1x256x64xf32, #tpu.memory_space<vmem>>
    %dma_wait3A_151 = tpu.memref_squeeze %dma_wait3A_150 : memref<1x256x64xf32, #tpu.memory_space<vmem>> -> memref<256x64xf32, #tpu.memory_space<vmem>>
    %dma_wait3A_152 = arith.constant 9728 : i32
    %dma_wait3A_153 = tpu.memref_slice %arg8[%dma_wait3A_152] : memref<10240xi32, #tpu.memory_space<vmem>> -> memref<256xi32, #tpu.memory_space<vmem>>
    %dma_wait3A_154 = arith.constant 0 : i32
    %dma_wait3A_155 = arith.constant 0 : i32
    %dma_wait3A_156 = tpu.memref_slice %arg10[%dma_wait3A_154, %dma_wait3A_155] : memref<10240x64xf32, #tpu.memory_space<vmem_shared>> -> memref<10240x64xf32, #tpu.memory_space<vmem_shared>>
    tpu.wait_indirect_dma semaphore(%arg17 : memref<!tpu.dma_semaphore, #tpu.memory_space<semaphore_mem>>) src(%dma_wait3A_151 : memref<256x64xf32, #tpu.memory_space<vmem>>) dst(%dma_wait3A_156 : memref<10240x64xf32, #tpu.memory_space<vmem_shared>>)
    %dma_wait3A_157 = arith.constant 3 : i32
    %dma_wait3A_158 = arith.constant 0 : i32
    %dma_wait3A_159 = arith.constant 0 : i32
    %dma_wait3A_160 = tpu.memref_slice %arg9[%dma_wait3A_157, %dma_wait3A_158, %dma_wait3A_159] : memref<4x256x64xf32, #tpu.memory_space<vmem>> -> memref<1x256x64xf32, #tpu.memory_space<vmem>>
    %dma_wait3A_161 = tpu.memref_squeeze %dma_wait3A_160 : memref<1x256x64xf32, #tpu.memory_space<vmem>> -> memref<256x64xf32, #tpu.memory_space<vmem>>
    %dma_wait3A_162 = arith.constant 9984 : i32
    %dma_wait3A_163 = tpu.memref_slice %arg8[%dma_wait3A_162] : memref<10240xi32, #tpu.memory_space<vmem>> -> memref<256xi32, #tpu.memory_space<vmem>>
    %dma_wait3A_164 = arith.constant 0 : i32
    %dma_wait3A_165 = arith.constant 0 : i32
    %dma_wait3A_166 = tpu.memref_slice %arg10[%dma_wait3A_164, %dma_wait3A_165] : memref<10240x64xf32, #tpu.memory_space<vmem_shared>> -> memref<10240x64xf32, #tpu.memory_space<vmem_shared>>
    tpu.wait_indirect_dma semaphore(%arg18 : memref<!tpu.dma_semaphore, #tpu.memory_space<semaphore_mem>>) src(%dma_wait3A_161 : memref<256x64xf32, #tpu.memory_space<vmem>>) dst(%dma_wait3A_166 : memref<10240x64xf32, #tpu.memory_space<vmem_shared>>)
    %barrier3A_167 = arith.constant 0 : index
    tpu.barrier barrier_id(%barrier3A_167)
    "tpu.region"() ({
      %run_scoped3A = tpu.sem_alloc : memref<!tpu.dma_semaphore, #tpu.memory_space<semaphore_mem>>
      %dma_start3A_168 = arith.constant 0 : i32
      %dma_start3A_169 = tpu.memref_slice %arg6[%arg0, %mul3A_2, %dma_start3A_168] : memref<2x10240x64xf32, #tpu.memory_space<hbm>> -> memref<1x640x64xf32, #tpu.memory_space<hbm>>
      %dma_start3A_170 = tpu.memref_squeeze %dma_start3A_169 : memref<1x640x64xf32, #tpu.memory_space<hbm>> -> memref<640x64xf32, #tpu.memory_space<hbm>>
      %dma_start3A_171 = arith.constant 0 : i32
      %dma_start3A_172 = tpu.memref_slice %arg10[%mul3A_2, %dma_start3A_171] : memref<10240x64xf32, #tpu.memory_space<vmem_shared>> -> memref<640x64xf32, #tpu.memory_space<vmem_shared>>
      tpu.enqueue_dma source(%dma_start3A_172 : memref<640x64xf32, #tpu.memory_space<vmem_shared>>) target(%dma_start3A_170 : memref<640x64xf32, #tpu.memory_space<hbm>>) target_semaphore(%run_scoped3A : memref<!tpu.dma_semaphore, #tpu.memory_space<semaphore_mem>>)
      %dma_wait3A_173 = arith.constant 0 : i32
      %dma_wait3A_174 = tpu.memref_slice %arg6[%arg0, %mul3A_2, %dma_wait3A_173] : memref<2x10240x64xf32, #tpu.memory_space<hbm>> -> memref<1x640x64xf32, #tpu.memory_space<hbm>>
      %dma_wait3A_175 = tpu.memref_squeeze %dma_wait3A_174 : memref<1x640x64xf32, #tpu.memory_space<hbm>> -> memref<640x64xf32, #tpu.memory_space<hbm>>
      %dma_wait3A_176 = arith.constant 0 : i32
      %dma_wait3A_177 = tpu.memref_slice %arg10[%mul3A_2, %dma_wait3A_176] : memref<10240x64xf32, #tpu.memory_space<vmem_shared>> -> memref<640x64xf32, #tpu.memory_space<vmem_shared>>
      tpu.wait_dma2 semaphore(%run_scoped3A : memref<!tpu.dma_semaphore, #tpu.memory_space<semaphore_mem>>) src(%dma_wait3A_177 : memref<640x64xf32, #tpu.memory_space<vmem_shared>>) dst(%dma_wait3A_175 : memref<640x64xf32, #tpu.memory_space<hbm>>)
      tpu.yield
    }) : () -> ()
    return
  }
}

#map = affine_map<(d0, d1) -> (0, 0)>
#map1 = affine_map<(d0, d1) -> (0, 0, 0)>
module attributes {stable_mosaic.version = 14 : i64} {
  func.func @_hop_body(%arg0: i32, %arg1: i32, %arg2: memref<10240x64xf32, #tpu.memory_space<hbm>>, %arg3: memref<32x10240xi32, #tpu.memory_space<hbm>>, %arg4: memref<32x10240xi32, #tpu.memory_space<hbm>>, %arg5: memref<10240x64xf32, #tpu.memory_space<hbm>>, %arg6: memref<2x10240x64xf32, #tpu.memory_space<hbm>>, %arg7: memref<10240xi32, #tpu.memory_space<vmem>>, %arg8: memref<10240xi32, #tpu.memory_space<vmem>>, %arg9: memref<4x256x64xf32, #tpu.memory_space<vmem>>, %arg10: memref<10240x64xf32, #tpu.memory_space<vmem_shared>>, %arg11: memref<!tpu.dma_semaphore, #tpu.memory_space<semaphore_mem>>, %arg12: memref<!tpu.dma_semaphore, #tpu.memory_space<semaphore_mem>>, %arg13: memref<!tpu.dma_semaphore, #tpu.memory_space<semaphore_mem>>, %arg14: memref<!tpu.dma_semaphore, #tpu.memory_space<semaphore_mem>>, %arg15: memref<!tpu.dma_semaphore, #tpu.memory_space<semaphore_mem>>, %arg16: memref<!tpu.dma_semaphore, #tpu.memory_space<semaphore_mem>>, %arg17: memref<!tpu.dma_semaphore, #tpu.memory_space<semaphore_mem>>, %arg18: memref<!tpu.dma_semaphore, #tpu.memory_space<semaphore_mem>>) attributes {dimension_semantics = [#tpu.dimension_semantics<core_parallel>, #tpu.dimension_semantics<subcore_parallel>], iteration_bounds = array<i64: 2, 16>, scalar_prefetch = 0 : i64, scratch_operands = 12 : i64, tpu.core_type = #tpu.core_type<sc_vector_subcore>, window_params = [{transform_indices = #map}, {transform_indices = #map}, {transform_indices = #map}, {transform_indices = #map}, {transform_indices = #map1}]} {
    %mul3A = arith.constant 16 : i32
    %mul3A_0 = arith.muli %arg0, %mul3A : i32
    %add3A = arith.addi %mul3A_0, %arg1 : i32
    %mul3A_1 = arith.constant 640 : i32
    %mul3A_2 = arith.muli %arg1, %mul3A_1 : i32
    "tpu.region"() ({
      %run_scoped3A = tpu.sem_alloc : memref<!tpu.dma_semaphore, #tpu.memory_space<semaphore_mem>>
      %dma_start3A_168 = arith.constant 0 : i32
      %dma_start3A_169 = tpu.memref_slice %arg10[%mul3A_2, %dma_start3A_168] : memref<10240x64xf32, #tpu.memory_space<vmem_shared>> -> memref<640x64xf32, #tpu.memory_space<vmem_shared>>
      %dma_start3A_170 = arith.constant 0 : i32
      %dma_start3A_171 = tpu.memref_slice %arg5[%mul3A_2, %dma_start3A_170] : memref<10240x64xf32, #tpu.memory_space<hbm>> -> memref<640x64xf32, #tpu.memory_space<hbm>>
      tpu.enqueue_dma source(%dma_start3A_171 : memref<640x64xf32, #tpu.memory_space<hbm>>) target(%dma_start3A_169 : memref<640x64xf32, #tpu.memory_space<vmem_shared>>) target_semaphore(%run_scoped3A : memref<!tpu.dma_semaphore, #tpu.memory_space<semaphore_mem>>)
      %dma_wait3A_172 = arith.constant 0 : i32
      %dma_wait3A_173 = tpu.memref_slice %arg10[%mul3A_2, %dma_wait3A_172] : memref<10240x64xf32, #tpu.memory_space<vmem_shared>> -> memref<640x64xf32, #tpu.memory_space<vmem_shared>>
      %dma_wait3A_174 = arith.constant 0 : i32
      %dma_wait3A_175 = tpu.memref_slice %arg5[%mul3A_2, %dma_wait3A_174] : memref<10240x64xf32, #tpu.memory_space<hbm>> -> memref<640x64xf32, #tpu.memory_space<hbm>>
      tpu.wait_dma2 semaphore(%run_scoped3A : memref<!tpu.dma_semaphore, #tpu.memory_space<semaphore_mem>>) src(%dma_wait3A_175 : memref<640x64xf32, #tpu.memory_space<hbm>>) dst(%dma_wait3A_173 : memref<640x64xf32, #tpu.memory_space<vmem_shared>>)
      tpu.yield
    }) : () -> ()
    "tpu.region"() ({
      %run_scoped3A = tpu.sem_alloc : memref<!tpu.dma_semaphore, #tpu.memory_space<semaphore_mem>>
      %dma_start3A_168 = arith.constant 0 : i32
      %dma_start3A_169 = tpu.memref_slice %arg3[%add3A, %dma_start3A_168] : memref<32x10240xi32, #tpu.memory_space<hbm>> -> memref<1x10240xi32, #tpu.memory_space<hbm>>
      %dma_start3A_170 = tpu.memref_squeeze %dma_start3A_169 : memref<1x10240xi32, #tpu.memory_space<hbm>> -> memref<10240xi32, #tpu.memory_space<hbm>>
      %dma_start3A_171 = arith.constant 0 : i32
      %dma_start3A_172 = tpu.memref_slice %arg3[%add3A, %dma_start3A_171] : memref<32x10240xi32, #tpu.memory_space<hbm>> -> memref<1x10240xi32, #tpu.memory_space<hbm>>
      %dma_start3A_173 = tpu.memref_squeeze %dma_start3A_172 : memref<1x10240xi32, #tpu.memory_space<hbm>> -> memref<10240xi32, #tpu.memory_space<hbm>>
      tpu.enqueue_dma source(%dma_start3A_173 : memref<10240xi32, #tpu.memory_space<hbm>>) target(%arg7 : memref<10240xi32, #tpu.memory_space<vmem>>) target_semaphore(%run_scoped3A : memref<!tpu.dma_semaphore, #tpu.memory_space<semaphore_mem>>)
      %dma_wait3A_174 = arith.constant 0 : i32
      %dma_wait3A_175 = tpu.memref_slice %arg3[%add3A, %dma_wait3A_174] : memref<32x10240xi32, #tpu.memory_space<hbm>> -> memref<1x10240xi32, #tpu.memory_space<hbm>>
      %dma_wait3A_176 = tpu.memref_squeeze %dma_wait3A_175 : memref<1x10240xi32, #tpu.memory_space<hbm>> -> memref<10240xi32, #tpu.memory_space<hbm>>
      %dma_wait3A_177 = arith.constant 0 : i32
      %dma_wait3A_178 = tpu.memref_slice %arg3[%add3A, %dma_wait3A_177] : memref<32x10240xi32, #tpu.memory_space<hbm>> -> memref<1x10240xi32, #tpu.memory_space<hbm>>
      %dma_wait3A_179 = tpu.memref_squeeze %dma_wait3A_178 : memref<1x10240xi32, #tpu.memory_space<hbm>> -> memref<10240xi32, #tpu.memory_space<hbm>>
      tpu.wait_dma2 semaphore(%run_scoped3A : memref<!tpu.dma_semaphore, #tpu.memory_space<semaphore_mem>>) src(%dma_wait3A_179 : memref<10240xi32, #tpu.memory_space<hbm>>) dst(%arg7 : memref<10240xi32, #tpu.memory_space<vmem>>)
      tpu.yield
    }) : () -> ()
    "tpu.region"() ({
      %run_scoped3A = tpu.sem_alloc : memref<!tpu.dma_semaphore, #tpu.memory_space<semaphore_mem>>
      %dma_start3A_168 = arith.constant 0 : i32
      %dma_start3A_169 = tpu.memref_slice %arg4[%add3A, %dma_start3A_168] : memref<32x10240xi32, #tpu.memory_space<hbm>> -> memref<1x10240xi32, #tpu.memory_space<hbm>>
      %dma_start3A_170 = tpu.memref_squeeze %dma_start3A_169 : memref<1x10240xi32, #tpu.memory_space<hbm>> -> memref<10240xi32, #tpu.memory_space<hbm>>
      %dma_start3A_171 = arith.constant 0 : i32
      %dma_start3A_172 = tpu.memref_slice %arg4[%add3A, %dma_start3A_171] : memref<32x10240xi32, #tpu.memory_space<hbm>> -> memref<1x10240xi32, #tpu.memory_space<hbm>>
      %dma_start3A_173 = tpu.memref_squeeze %dma_start3A_172 : memref<1x10240xi32, #tpu.memory_space<hbm>> -> memref<10240xi32, #tpu.memory_space<hbm>>
      tpu.enqueue_dma source(%dma_start3A_173 : memref<10240xi32, #tpu.memory_space<hbm>>) target(%arg8 : memref<10240xi32, #tpu.memory_space<vmem>>) target_semaphore(%run_scoped3A : memref<!tpu.dma_semaphore, #tpu.memory_space<semaphore_mem>>)
      %dma_wait3A_174 = arith.constant 0 : i32
      %dma_wait3A_175 = tpu.memref_slice %arg4[%add3A, %dma_wait3A_174] : memref<32x10240xi32, #tpu.memory_space<hbm>> -> memref<1x10240xi32, #tpu.memory_space<hbm>>
      %dma_wait3A_176 = tpu.memref_squeeze %dma_wait3A_175 : memref<1x10240xi32, #tpu.memory_space<hbm>> -> memref<10240xi32, #tpu.memory_space<hbm>>
      %dma_wait3A_177 = arith.constant 0 : i32
      %dma_wait3A_178 = tpu.memref_slice %arg4[%add3A, %dma_wait3A_177] : memref<32x10240xi32, #tpu.memory_space<hbm>> -> memref<1x10240xi32, #tpu.memory_space<hbm>>
      %dma_wait3A_179 = tpu.memref_squeeze %dma_wait3A_178 : memref<1x10240xi32, #tpu.memory_space<hbm>> -> memref<10240xi32, #tpu.memory_space<hbm>>
      tpu.wait_dma2 semaphore(%run_scoped3A : memref<!tpu.dma_semaphore, #tpu.memory_space<semaphore_mem>>) src(%dma_wait3A_179 : memref<10240xi32, #tpu.memory_space<hbm>>) dst(%arg8 : memref<10240xi32, #tpu.memory_space<vmem>>)
      tpu.yield
    }) : () -> ()
    %barrier3A = arith.constant 0 : index
    tpu.barrier barrier_id(%barrier3A)
    %dma_start3A = arith.constant 0 : i32
    %dma_start3A_3 = arith.constant 0 : i32
    %dma_start3A_4 = arith.constant 0 : i32
    %dma_start3A_5 = tpu.memref_slice %arg9[%dma_start3A, %dma_start3A_3, %dma_start3A_4] : memref<4x256x64xf32, #tpu.memory_space<vmem>> -> memref<1x256x64xf32, #tpu.memory_space<vmem>>
    %dma_start3A_6 = tpu.memref_squeeze %dma_start3A_5 : memref<1x256x64xf32, #tpu.memory_space<vmem>> -> memref<256x64xf32, #tpu.memory_space<vmem>>
    %dma_start3A_7 = arith.constant 0 : i32
    %dma_start3A_8 = tpu.memref_slice %arg7[%dma_start3A_7] : memref<10240xi32, #tpu.memory_space<vmem>> -> memref<256xi32, #tpu.memory_space<vmem>>
    %dma_start3A_9 = arith.constant 0 : i32
    %dma_start3A_10 = arith.constant 0 : i32
    %dma_start3A_11 = tpu.memref_slice %arg2[%dma_start3A_9, %dma_start3A_10] : memref<10240x64xf32, #tpu.memory_space<hbm>> -> memref<10240x64xf32, #tpu.memory_space<hbm>>
    tpu.enqueue_indirect_dma source(%dma_start3A_11 : memref<10240x64xf32, #tpu.memory_space<hbm>>) target(%dma_start3A_6 : memref<256x64xf32, #tpu.memory_space<vmem>>) offsets(%dma_start3A_8 : memref<256xi32, #tpu.memory_space<vmem>>) semaphore(%arg11 : memref<!tpu.dma_semaphore, #tpu.memory_space<semaphore_mem>>)
    %dma_start3A_12 = arith.constant 1 : i32
    %dma_start3A_13 = arith.constant 0 : i32
    %dma_start3A_14 = arith.constant 0 : i32
    %dma_start3A_15 = tpu.memref_slice %arg9[%dma_start3A_12, %dma_start3A_13, %dma_start3A_14] : memref<4x256x64xf32, #tpu.memory_space<vmem>> -> memref<1x256x64xf32, #tpu.memory_space<vmem>>
    %dma_start3A_16 = tpu.memref_squeeze %dma_start3A_15 : memref<1x256x64xf32, #tpu.memory_space<vmem>> -> memref<256x64xf32, #tpu.memory_space<vmem>>
    %dma_start3A_17 = arith.constant 256 : i32
    %dma_start3A_18 = tpu.memref_slice %arg7[%dma_start3A_17] : memref<10240xi32, #tpu.memory_space<vmem>> -> memref<256xi32, #tpu.memory_space<vmem>>
    %dma_start3A_19 = arith.constant 0 : i32
    %dma_start3A_20 = arith.constant 0 : i32
    %dma_start3A_21 = tpu.memref_slice %arg2[%dma_start3A_19, %dma_start3A_20] : memref<10240x64xf32, #tpu.memory_space<hbm>> -> memref<10240x64xf32, #tpu.memory_space<hbm>>
    tpu.enqueue_indirect_dma source(%dma_start3A_21 : memref<10240x64xf32, #tpu.memory_space<hbm>>) target(%dma_start3A_16 : memref<256x64xf32, #tpu.memory_space<vmem>>) offsets(%dma_start3A_18 : memref<256xi32, #tpu.memory_space<vmem>>) semaphore(%arg12 : memref<!tpu.dma_semaphore, #tpu.memory_space<semaphore_mem>>)
    %dma_start3A_22 = arith.constant 2 : i32
    %dma_start3A_23 = arith.constant 0 : i32
    %dma_start3A_24 = arith.constant 0 : i32
    %dma_start3A_25 = tpu.memref_slice %arg9[%dma_start3A_22, %dma_start3A_23, %dma_start3A_24] : memref<4x256x64xf32, #tpu.memory_space<vmem>> -> memref<1x256x64xf32, #tpu.memory_space<vmem>>
    %dma_start3A_26 = tpu.memref_squeeze %dma_start3A_25 : memref<1x256x64xf32, #tpu.memory_space<vmem>> -> memref<256x64xf32, #tpu.memory_space<vmem>>
    %dma_start3A_27 = arith.constant 512 : i32
    %dma_start3A_28 = tpu.memref_slice %arg7[%dma_start3A_27] : memref<10240xi32, #tpu.memory_space<vmem>> -> memref<256xi32, #tpu.memory_space<vmem>>
    %dma_start3A_29 = arith.constant 0 : i32
    %dma_start3A_30 = arith.constant 0 : i32
    %dma_start3A_31 = tpu.memref_slice %arg2[%dma_start3A_29, %dma_start3A_30] : memref<10240x64xf32, #tpu.memory_space<hbm>> -> memref<10240x64xf32, #tpu.memory_space<hbm>>
    tpu.enqueue_indirect_dma source(%dma_start3A_31 : memref<10240x64xf32, #tpu.memory_space<hbm>>) target(%dma_start3A_26 : memref<256x64xf32, #tpu.memory_space<vmem>>) offsets(%dma_start3A_28 : memref<256xi32, #tpu.memory_space<vmem>>) semaphore(%arg13 : memref<!tpu.dma_semaphore, #tpu.memory_space<semaphore_mem>>)
    %dma_start3A_32 = arith.constant 3 : i32
    %dma_start3A_33 = arith.constant 0 : i32
    %dma_start3A_34 = arith.constant 0 : i32
    %dma_start3A_35 = tpu.memref_slice %arg9[%dma_start3A_32, %dma_start3A_33, %dma_start3A_34] : memref<4x256x64xf32, #tpu.memory_space<vmem>> -> memref<1x256x64xf32, #tpu.memory_space<vmem>>
    %dma_start3A_36 = tpu.memref_squeeze %dma_start3A_35 : memref<1x256x64xf32, #tpu.memory_space<vmem>> -> memref<256x64xf32, #tpu.memory_space<vmem>>
    %dma_start3A_37 = arith.constant 768 : i32
    %dma_start3A_38 = tpu.memref_slice %arg7[%dma_start3A_37] : memref<10240xi32, #tpu.memory_space<vmem>> -> memref<256xi32, #tpu.memory_space<vmem>>
    %dma_start3A_39 = arith.constant 0 : i32
    %dma_start3A_40 = arith.constant 0 : i32
    %dma_start3A_41 = tpu.memref_slice %arg2[%dma_start3A_39, %dma_start3A_40] : memref<10240x64xf32, #tpu.memory_space<hbm>> -> memref<10240x64xf32, #tpu.memory_space<hbm>>
    tpu.enqueue_indirect_dma source(%dma_start3A_41 : memref<10240x64xf32, #tpu.memory_space<hbm>>) target(%dma_start3A_36 : memref<256x64xf32, #tpu.memory_space<vmem>>) offsets(%dma_start3A_38 : memref<256xi32, #tpu.memory_space<vmem>>) semaphore(%arg14 : memref<!tpu.dma_semaphore, #tpu.memory_space<semaphore_mem>>)
    %scan3A = arith.constant 0 : i32
    %scan3A_42 = arith.constant 0 : i32
    %scan3A_43 = arith.constant 9 : i32
    %scan3A_44 = arith.addi %scan3A_42, %scan3A_43 : i32
    %scan3A_45 = arith.constant 1 : i32
    %scan3A_46 = scf.for %scan3A_168 = %scan3A_42 to %scan3A_44 step %scan3A_45 iter_args(%scan3A_169 = %scan3A) -> (i32)  : i32 {
      %mul3A_170 = arith.constant 4 : i32
      %mul3A_171 = arith.muli %scan3A_168, %mul3A_170 : i32
      %add3A_172 = arith.constant 0 : i32
      %add3A_173 = arith.addi %mul3A_171, %add3A_172 : i32
      %mul3A_174 = arith.constant 256 : i32
      %mul3A_175 = arith.muli %add3A_173, %mul3A_174 : i32
      %dma_wait3A_176 = arith.constant 0 : i32
      %dma_wait3A_177 = arith.constant 0 : i32
      %dma_wait3A_178 = arith.constant 0 : i32
      %dma_wait3A_179 = tpu.memref_slice %arg9[%dma_wait3A_176, %dma_wait3A_177, %dma_wait3A_178] : memref<4x256x64xf32, #tpu.memory_space<vmem>> -> memref<1x256x64xf32, #tpu.memory_space<vmem>>
      %dma_wait3A_180 = tpu.memref_squeeze %dma_wait3A_179 : memref<1x256x64xf32, #tpu.memory_space<vmem>> -> memref<256x64xf32, #tpu.memory_space<vmem>>
      %dma_wait3A_181 = tpu.memref_slice %arg7[%mul3A_175] : memref<10240xi32, #tpu.memory_space<vmem>> -> memref<256xi32, #tpu.memory_space<vmem>>
      %dma_wait3A_182 = arith.constant 0 : i32
      %dma_wait3A_183 = arith.constant 0 : i32
      %dma_wait3A_184 = tpu.memref_slice %arg2[%dma_wait3A_182, %dma_wait3A_183] : memref<10240x64xf32, #tpu.memory_space<hbm>> -> memref<10240x64xf32, #tpu.memory_space<hbm>>
      tpu.wait_indirect_dma semaphore(%arg11 : memref<!tpu.dma_semaphore, #tpu.memory_space<semaphore_mem>>) src(%dma_wait3A_184 : memref<10240x64xf32, #tpu.memory_space<hbm>>) dst(%dma_wait3A_180 : memref<256x64xf32, #tpu.memory_space<vmem>>)
      %add3A_185 = arith.constant 0 : i32
      %add3A_186 = arith.addi %mul3A_171, %add3A_185 : i32
      %mul3A_187 = arith.constant 256 : i32
      %mul3A_188 = arith.muli %add3A_186, %mul3A_187 : i32
      %dma_start3A_189 = arith.constant 0 : i32
      %dma_start3A_190 = arith.constant 0 : i32
      %dma_start3A_191 = arith.constant 0 : i32
      %dma_start3A_192 = tpu.memref_slice %arg9[%dma_start3A_189, %dma_start3A_190, %dma_start3A_191] : memref<4x256x64xf32, #tpu.memory_space<vmem>> -> memref<1x256x64xf32, #tpu.memory_space<vmem>>
      %dma_start3A_193 = tpu.memref_squeeze %dma_start3A_192 : memref<1x256x64xf32, #tpu.memory_space<vmem>> -> memref<256x64xf32, #tpu.memory_space<vmem>>
      %dma_start3A_194 = tpu.memref_slice %arg8[%mul3A_188] : memref<10240xi32, #tpu.memory_space<vmem>> -> memref<256xi32, #tpu.memory_space<vmem>>
      %dma_start3A_195 = arith.constant 0 : i32
      %dma_start3A_196 = arith.constant 0 : i32
      %dma_start3A_197 = tpu.memref_slice %arg10[%dma_start3A_195, %dma_start3A_196] : memref<10240x64xf32, #tpu.memory_space<vmem_shared>> -> memref<10240x64xf32, #tpu.memory_space<vmem_shared>>
      tpu.enqueue_indirect_dma source(%dma_start3A_193 : memref<256x64xf32, #tpu.memory_space<vmem>>) target(%dma_start3A_197 : memref<10240x64xf32, #tpu.memory_space<vmem_shared>>) offsets(%dma_start3A_194 : memref<256xi32, #tpu.memory_space<vmem>>) semaphore(%arg15 : memref<!tpu.dma_semaphore, #tpu.memory_space<semaphore_mem>>) {add = true}
      %add3A_198 = arith.constant 1 : i32
      %add3A_199 = arith.addi %mul3A_171, %add3A_198 : i32
      %mul3A_200 = arith.constant 256 : i32
      %mul3A_201 = arith.muli %add3A_199, %mul3A_200 : i32
      %dma_wait3A_202 = arith.constant 1 : i32
      %dma_wait3A_203 = arith.constant 0 : i32
      %dma_wait3A_204 = arith.constant 0 : i32
      %dma_wait3A_205 = tpu.memref_slice %arg9[%dma_wait3A_202, %dma_wait3A_203, %dma_wait3A_204] : memref<4x256x64xf32, #tpu.memory_space<vmem>> -> memref<1x256x64xf32, #tpu.memory_space<vmem>>
      %dma_wait3A_206 = tpu.memref_squeeze %dma_wait3A_205 : memref<1x256x64xf32, #tpu.memory_space<vmem>> -> memref<256x64xf32, #tpu.memory_space<vmem>>
      %dma_wait3A_207 = tpu.memref_slice %arg7[%mul3A_201] : memref<10240xi32, #tpu.memory_space<vmem>> -> memref<256xi32, #tpu.memory_space<vmem>>
      %dma_wait3A_208 = arith.constant 0 : i32
      %dma_wait3A_209 = arith.constant 0 : i32
      %dma_wait3A_210 = tpu.memref_slice %arg2[%dma_wait3A_208, %dma_wait3A_209] : memref<10240x64xf32, #tpu.memory_space<hbm>> -> memref<10240x64xf32, #tpu.memory_space<hbm>>
      tpu.wait_indirect_dma semaphore(%arg12 : memref<!tpu.dma_semaphore, #tpu.memory_space<semaphore_mem>>) src(%dma_wait3A_210 : memref<10240x64xf32, #tpu.memory_space<hbm>>) dst(%dma_wait3A_206 : memref<256x64xf32, #tpu.memory_space<vmem>>)
      %add3A_211 = arith.constant 1 : i32
      %add3A_212 = arith.addi %mul3A_171, %add3A_211 : i32
      %mul3A_213 = arith.constant 256 : i32
      %mul3A_214 = arith.muli %add3A_212, %mul3A_213 : i32
      %dma_start3A_215 = arith.constant 1 : i32
      %dma_start3A_216 = arith.constant 0 : i32
      %dma_start3A_217 = arith.constant 0 : i32
      %dma_start3A_218 = tpu.memref_slice %arg9[%dma_start3A_215, %dma_start3A_216, %dma_start3A_217] : memref<4x256x64xf32, #tpu.memory_space<vmem>> -> memref<1x256x64xf32, #tpu.memory_space<vmem>>
      %dma_start3A_219 = tpu.memref_squeeze %dma_start3A_218 : memref<1x256x64xf32, #tpu.memory_space<vmem>> -> memref<256x64xf32, #tpu.memory_space<vmem>>
      %dma_start3A_220 = tpu.memref_slice %arg8[%mul3A_214] : memref<10240xi32, #tpu.memory_space<vmem>> -> memref<256xi32, #tpu.memory_space<vmem>>
      %dma_start3A_221 = arith.constant 0 : i32
      %dma_start3A_222 = arith.constant 0 : i32
      %dma_start3A_223 = tpu.memref_slice %arg10[%dma_start3A_221, %dma_start3A_222] : memref<10240x64xf32, #tpu.memory_space<vmem_shared>> -> memref<10240x64xf32, #tpu.memory_space<vmem_shared>>
      tpu.enqueue_indirect_dma source(%dma_start3A_219 : memref<256x64xf32, #tpu.memory_space<vmem>>) target(%dma_start3A_223 : memref<10240x64xf32, #tpu.memory_space<vmem_shared>>) offsets(%dma_start3A_220 : memref<256xi32, #tpu.memory_space<vmem>>) semaphore(%arg16 : memref<!tpu.dma_semaphore, #tpu.memory_space<semaphore_mem>>) {add = true}
      %add3A_224 = arith.constant 2 : i32
      %add3A_225 = arith.addi %mul3A_171, %add3A_224 : i32
      %mul3A_226 = arith.constant 256 : i32
      %mul3A_227 = arith.muli %add3A_225, %mul3A_226 : i32
      %dma_wait3A_228 = arith.constant 2 : i32
      %dma_wait3A_229 = arith.constant 0 : i32
      %dma_wait3A_230 = arith.constant 0 : i32
      %dma_wait3A_231 = tpu.memref_slice %arg9[%dma_wait3A_228, %dma_wait3A_229, %dma_wait3A_230] : memref<4x256x64xf32, #tpu.memory_space<vmem>> -> memref<1x256x64xf32, #tpu.memory_space<vmem>>
      %dma_wait3A_232 = tpu.memref_squeeze %dma_wait3A_231 : memref<1x256x64xf32, #tpu.memory_space<vmem>> -> memref<256x64xf32, #tpu.memory_space<vmem>>
      %dma_wait3A_233 = tpu.memref_slice %arg7[%mul3A_227] : memref<10240xi32, #tpu.memory_space<vmem>> -> memref<256xi32, #tpu.memory_space<vmem>>
      %dma_wait3A_234 = arith.constant 0 : i32
      %dma_wait3A_235 = arith.constant 0 : i32
      %dma_wait3A_236 = tpu.memref_slice %arg2[%dma_wait3A_234, %dma_wait3A_235] : memref<10240x64xf32, #tpu.memory_space<hbm>> -> memref<10240x64xf32, #tpu.memory_space<hbm>>
      tpu.wait_indirect_dma semaphore(%arg13 : memref<!tpu.dma_semaphore, #tpu.memory_space<semaphore_mem>>) src(%dma_wait3A_236 : memref<10240x64xf32, #tpu.memory_space<hbm>>) dst(%dma_wait3A_232 : memref<256x64xf32, #tpu.memory_space<vmem>>)
      %add3A_237 = arith.constant 2 : i32
      %add3A_238 = arith.addi %mul3A_171, %add3A_237 : i32
      %mul3A_239 = arith.constant 256 : i32
      %mul3A_240 = arith.muli %add3A_238, %mul3A_239 : i32
      %dma_start3A_241 = arith.constant 2 : i32
      %dma_start3A_242 = arith.constant 0 : i32
      %dma_start3A_243 = arith.constant 0 : i32
      %dma_start3A_244 = tpu.memref_slice %arg9[%dma_start3A_241, %dma_start3A_242, %dma_start3A_243] : memref<4x256x64xf32, #tpu.memory_space<vmem>> -> memref<1x256x64xf32, #tpu.memory_space<vmem>>
      %dma_start3A_245 = tpu.memref_squeeze %dma_start3A_244 : memref<1x256x64xf32, #tpu.memory_space<vmem>> -> memref<256x64xf32, #tpu.memory_space<vmem>>
      %dma_start3A_246 = tpu.memref_slice %arg8[%mul3A_240] : memref<10240xi32, #tpu.memory_space<vmem>> -> memref<256xi32, #tpu.memory_space<vmem>>
      %dma_start3A_247 = arith.constant 0 : i32
      %dma_start3A_248 = arith.constant 0 : i32
      %dma_start3A_249 = tpu.memref_slice %arg10[%dma_start3A_247, %dma_start3A_248] : memref<10240x64xf32, #tpu.memory_space<vmem_shared>> -> memref<10240x64xf32, #tpu.memory_space<vmem_shared>>
      tpu.enqueue_indirect_dma source(%dma_start3A_245 : memref<256x64xf32, #tpu.memory_space<vmem>>) target(%dma_start3A_249 : memref<10240x64xf32, #tpu.memory_space<vmem_shared>>) offsets(%dma_start3A_246 : memref<256xi32, #tpu.memory_space<vmem>>) semaphore(%arg17 : memref<!tpu.dma_semaphore, #tpu.memory_space<semaphore_mem>>) {add = true}
      %add3A_250 = arith.constant 3 : i32
      %add3A_251 = arith.addi %mul3A_171, %add3A_250 : i32
      %mul3A_252 = arith.constant 256 : i32
      %mul3A_253 = arith.muli %add3A_251, %mul3A_252 : i32
      %dma_wait3A_254 = arith.constant 3 : i32
      %dma_wait3A_255 = arith.constant 0 : i32
      %dma_wait3A_256 = arith.constant 0 : i32
      %dma_wait3A_257 = tpu.memref_slice %arg9[%dma_wait3A_254, %dma_wait3A_255, %dma_wait3A_256] : memref<4x256x64xf32, #tpu.memory_space<vmem>> -> memref<1x256x64xf32, #tpu.memory_space<vmem>>
      %dma_wait3A_258 = tpu.memref_squeeze %dma_wait3A_257 : memref<1x256x64xf32, #tpu.memory_space<vmem>> -> memref<256x64xf32, #tpu.memory_space<vmem>>
      %dma_wait3A_259 = tpu.memref_slice %arg7[%mul3A_253] : memref<10240xi32, #tpu.memory_space<vmem>> -> memref<256xi32, #tpu.memory_space<vmem>>
      %dma_wait3A_260 = arith.constant 0 : i32
      %dma_wait3A_261 = arith.constant 0 : i32
      %dma_wait3A_262 = tpu.memref_slice %arg2[%dma_wait3A_260, %dma_wait3A_261] : memref<10240x64xf32, #tpu.memory_space<hbm>> -> memref<10240x64xf32, #tpu.memory_space<hbm>>
      tpu.wait_indirect_dma semaphore(%arg14 : memref<!tpu.dma_semaphore, #tpu.memory_space<semaphore_mem>>) src(%dma_wait3A_262 : memref<10240x64xf32, #tpu.memory_space<hbm>>) dst(%dma_wait3A_258 : memref<256x64xf32, #tpu.memory_space<vmem>>)
      %add3A_263 = arith.constant 3 : i32
      %add3A_264 = arith.addi %mul3A_171, %add3A_263 : i32
      %mul3A_265 = arith.constant 256 : i32
      %mul3A_266 = arith.muli %add3A_264, %mul3A_265 : i32
      %dma_start3A_267 = arith.constant 3 : i32
      %dma_start3A_268 = arith.constant 0 : i32
      %dma_start3A_269 = arith.constant 0 : i32
      %dma_start3A_270 = tpu.memref_slice %arg9[%dma_start3A_267, %dma_start3A_268, %dma_start3A_269] : memref<4x256x64xf32, #tpu.memory_space<vmem>> -> memref<1x256x64xf32, #tpu.memory_space<vmem>>
      %dma_start3A_271 = tpu.memref_squeeze %dma_start3A_270 : memref<1x256x64xf32, #tpu.memory_space<vmem>> -> memref<256x64xf32, #tpu.memory_space<vmem>>
      %dma_start3A_272 = tpu.memref_slice %arg8[%mul3A_266] : memref<10240xi32, #tpu.memory_space<vmem>> -> memref<256xi32, #tpu.memory_space<vmem>>
      %dma_start3A_273 = arith.constant 0 : i32
      %dma_start3A_274 = arith.constant 0 : i32
      %dma_start3A_275 = tpu.memref_slice %arg10[%dma_start3A_273, %dma_start3A_274] : memref<10240x64xf32, #tpu.memory_space<vmem_shared>> -> memref<10240x64xf32, #tpu.memory_space<vmem_shared>>
      tpu.enqueue_indirect_dma source(%dma_start3A_271 : memref<256x64xf32, #tpu.memory_space<vmem>>) target(%dma_start3A_275 : memref<10240x64xf32, #tpu.memory_space<vmem_shared>>) offsets(%dma_start3A_272 : memref<256xi32, #tpu.memory_space<vmem>>) semaphore(%arg18 : memref<!tpu.dma_semaphore, #tpu.memory_space<semaphore_mem>>) {add = true}
      %add3A_276 = arith.constant 0 : i32
      %add3A_277 = arith.addi %mul3A_171, %add3A_276 : i32
      %mul3A_278 = arith.constant 256 : i32
      %mul3A_279 = arith.muli %add3A_277, %mul3A_278 : i32
      %dma_wait3A_280 = arith.constant 0 : i32
      %dma_wait3A_281 = arith.constant 0 : i32
      %dma_wait3A_282 = arith.constant 0 : i32
      %dma_wait3A_283 = tpu.memref_slice %arg9[%dma_wait3A_280, %dma_wait3A_281, %dma_wait3A_282] : memref<4x256x64xf32, #tpu.memory_space<vmem>> -> memref<1x256x64xf32, #tpu.memory_space<vmem>>
      %dma_wait3A_284 = tpu.memref_squeeze %dma_wait3A_283 : memref<1x256x64xf32, #tpu.memory_space<vmem>> -> memref<256x64xf32, #tpu.memory_space<vmem>>
      %dma_wait3A_285 = tpu.memref_slice %arg8[%mul3A_279] : memref<10240xi32, #tpu.memory_space<vmem>> -> memref<256xi32, #tpu.memory_space<vmem>>
      %dma_wait3A_286 = arith.constant 0 : i32
      %dma_wait3A_287 = arith.constant 0 : i32
      %dma_wait3A_288 = tpu.memref_slice %arg10[%dma_wait3A_286, %dma_wait3A_287] : memref<10240x64xf32, #tpu.memory_space<vmem_shared>> -> memref<10240x64xf32, #tpu.memory_space<vmem_shared>>
      tpu.wait_indirect_dma semaphore(%arg15 : memref<!tpu.dma_semaphore, #tpu.memory_space<semaphore_mem>>) src(%dma_wait3A_284 : memref<256x64xf32, #tpu.memory_space<vmem>>) dst(%dma_wait3A_288 : memref<10240x64xf32, #tpu.memory_space<vmem_shared>>)
      %add3A_289 = arith.constant 0 : i32
      %add3A_290 = arith.addi %mul3A_171, %add3A_289 : i32
      %add3A_291 = arith.constant 4 : i32
      %add3A_292 = arith.addi %add3A_290, %add3A_291 : i32
      %mul3A_293 = arith.constant 256 : i32
      %mul3A_294 = arith.muli %add3A_292, %mul3A_293 : i32
      %dma_start3A_295 = arith.constant 0 : i32
      %dma_start3A_296 = arith.constant 0 : i32
      %dma_start3A_297 = arith.constant 0 : i32
      %dma_start3A_298 = tpu.memref_slice %arg9[%dma_start3A_295, %dma_start3A_296, %dma_start3A_297] : memref<4x256x64xf32, #tpu.memory_space<vmem>> -> memref<1x256x64xf32, #tpu.memory_space<vmem>>
      %dma_start3A_299 = tpu.memref_squeeze %dma_start3A_298 : memref<1x256x64xf32, #tpu.memory_space<vmem>> -> memref<256x64xf32, #tpu.memory_space<vmem>>
      %dma_start3A_300 = tpu.memref_slice %arg7[%mul3A_294] : memref<10240xi32, #tpu.memory_space<vmem>> -> memref<256xi32, #tpu.memory_space<vmem>>
      %dma_start3A_301 = arith.constant 0 : i32
      %dma_start3A_302 = arith.constant 0 : i32
      %dma_start3A_303 = tpu.memref_slice %arg2[%dma_start3A_301, %dma_start3A_302] : memref<10240x64xf32, #tpu.memory_space<hbm>> -> memref<10240x64xf32, #tpu.memory_space<hbm>>
      tpu.enqueue_indirect_dma source(%dma_start3A_303 : memref<10240x64xf32, #tpu.memory_space<hbm>>) target(%dma_start3A_299 : memref<256x64xf32, #tpu.memory_space<vmem>>) offsets(%dma_start3A_300 : memref<256xi32, #tpu.memory_space<vmem>>) semaphore(%arg11 : memref<!tpu.dma_semaphore, #tpu.memory_space<semaphore_mem>>)
      %add3A_304 = arith.constant 1 : i32
      %add3A_305 = arith.addi %mul3A_171, %add3A_304 : i32
      %mul3A_306 = arith.constant 256 : i32
      %mul3A_307 = arith.muli %add3A_305, %mul3A_306 : i32
      %dma_wait3A_308 = arith.constant 1 : i32
      %dma_wait3A_309 = arith.constant 0 : i32
      %dma_wait3A_310 = arith.constant 0 : i32
      %dma_wait3A_311 = tpu.memref_slice %arg9[%dma_wait3A_308, %dma_wait3A_309, %dma_wait3A_310] : memref<4x256x64xf32, #tpu.memory_space<vmem>> -> memref<1x256x64xf32, #tpu.memory_space<vmem>>
      %dma_wait3A_312 = tpu.memref_squeeze %dma_wait3A_311 : memref<1x256x64xf32, #tpu.memory_space<vmem>> -> memref<256x64xf32, #tpu.memory_space<vmem>>
      %dma_wait3A_313 = tpu.memref_slice %arg8[%mul3A_307] : memref<10240xi32, #tpu.memory_space<vmem>> -> memref<256xi32, #tpu.memory_space<vmem>>
      %dma_wait3A_314 = arith.constant 0 : i32
      %dma_wait3A_315 = arith.constant 0 : i32
      %dma_wait3A_316 = tpu.memref_slice %arg10[%dma_wait3A_314, %dma_wait3A_315] : memref<10240x64xf32, #tpu.memory_space<vmem_shared>> -> memref<10240x64xf32, #tpu.memory_space<vmem_shared>>
      tpu.wait_indirect_dma semaphore(%arg16 : memref<!tpu.dma_semaphore, #tpu.memory_space<semaphore_mem>>) src(%dma_wait3A_312 : memref<256x64xf32, #tpu.memory_space<vmem>>) dst(%dma_wait3A_316 : memref<10240x64xf32, #tpu.memory_space<vmem_shared>>)
      %add3A_317 = arith.constant 1 : i32
      %add3A_318 = arith.addi %mul3A_171, %add3A_317 : i32
      %add3A_319 = arith.constant 4 : i32
      %add3A_320 = arith.addi %add3A_318, %add3A_319 : i32
      %mul3A_321 = arith.constant 256 : i32
      %mul3A_322 = arith.muli %add3A_320, %mul3A_321 : i32
      %dma_start3A_323 = arith.constant 1 : i32
      %dma_start3A_324 = arith.constant 0 : i32
      %dma_start3A_325 = arith.constant 0 : i32
      %dma_start3A_326 = tpu.memref_slice %arg9[%dma_start3A_323, %dma_start3A_324, %dma_start3A_325] : memref<4x256x64xf32, #tpu.memory_space<vmem>> -> memref<1x256x64xf32, #tpu.memory_space<vmem>>
      %dma_start3A_327 = tpu.memref_squeeze %dma_start3A_326 : memref<1x256x64xf32, #tpu.memory_space<vmem>> -> memref<256x64xf32, #tpu.memory_space<vmem>>
      %dma_start3A_328 = tpu.memref_slice %arg7[%mul3A_322] : memref<10240xi32, #tpu.memory_space<vmem>> -> memref<256xi32, #tpu.memory_space<vmem>>
      %dma_start3A_329 = arith.constant 0 : i32
      %dma_start3A_330 = arith.constant 0 : i32
      %dma_start3A_331 = tpu.memref_slice %arg2[%dma_start3A_329, %dma_start3A_330] : memref<10240x64xf32, #tpu.memory_space<hbm>> -> memref<10240x64xf32, #tpu.memory_space<hbm>>
      tpu.enqueue_indirect_dma source(%dma_start3A_331 : memref<10240x64xf32, #tpu.memory_space<hbm>>) target(%dma_start3A_327 : memref<256x64xf32, #tpu.memory_space<vmem>>) offsets(%dma_start3A_328 : memref<256xi32, #tpu.memory_space<vmem>>) semaphore(%arg12 : memref<!tpu.dma_semaphore, #tpu.memory_space<semaphore_mem>>)
      %add3A_332 = arith.constant 2 : i32
      %add3A_333 = arith.addi %mul3A_171, %add3A_332 : i32
      %mul3A_334 = arith.constant 256 : i32
      %mul3A_335 = arith.muli %add3A_333, %mul3A_334 : i32
      %dma_wait3A_336 = arith.constant 2 : i32
      %dma_wait3A_337 = arith.constant 0 : i32
      %dma_wait3A_338 = arith.constant 0 : i32
      %dma_wait3A_339 = tpu.memref_slice %arg9[%dma_wait3A_336, %dma_wait3A_337, %dma_wait3A_338] : memref<4x256x64xf32, #tpu.memory_space<vmem>> -> memref<1x256x64xf32, #tpu.memory_space<vmem>>
      %dma_wait3A_340 = tpu.memref_squeeze %dma_wait3A_339 : memref<1x256x64xf32, #tpu.memory_space<vmem>> -> memref<256x64xf32, #tpu.memory_space<vmem>>
      %dma_wait3A_341 = tpu.memref_slice %arg8[%mul3A_335] : memref<10240xi32, #tpu.memory_space<vmem>> -> memref<256xi32, #tpu.memory_space<vmem>>
      %dma_wait3A_342 = arith.constant 0 : i32
      %dma_wait3A_343 = arith.constant 0 : i32
      %dma_wait3A_344 = tpu.memref_slice %arg10[%dma_wait3A_342, %dma_wait3A_343] : memref<10240x64xf32, #tpu.memory_space<vmem_shared>> -> memref<10240x64xf32, #tpu.memory_space<vmem_shared>>
      tpu.wait_indirect_dma semaphore(%arg17 : memref<!tpu.dma_semaphore, #tpu.memory_space<semaphore_mem>>) src(%dma_wait3A_340 : memref<256x64xf32, #tpu.memory_space<vmem>>) dst(%dma_wait3A_344 : memref<10240x64xf32, #tpu.memory_space<vmem_shared>>)
      %add3A_345 = arith.constant 2 : i32
      %add3A_346 = arith.addi %mul3A_171, %add3A_345 : i32
      %add3A_347 = arith.constant 4 : i32
      %add3A_348 = arith.addi %add3A_346, %add3A_347 : i32
      %mul3A_349 = arith.constant 256 : i32
      %mul3A_350 = arith.muli %add3A_348, %mul3A_349 : i32
      %dma_start3A_351 = arith.constant 2 : i32
      %dma_start3A_352 = arith.constant 0 : i32
      %dma_start3A_353 = arith.constant 0 : i32
      %dma_start3A_354 = tpu.memref_slice %arg9[%dma_start3A_351, %dma_start3A_352, %dma_start3A_353] : memref<4x256x64xf32, #tpu.memory_space<vmem>> -> memref<1x256x64xf32, #tpu.memory_space<vmem>>
      %dma_start3A_355 = tpu.memref_squeeze %dma_start3A_354 : memref<1x256x64xf32, #tpu.memory_space<vmem>> -> memref<256x64xf32, #tpu.memory_space<vmem>>
      %dma_start3A_356 = tpu.memref_slice %arg7[%mul3A_350] : memref<10240xi32, #tpu.memory_space<vmem>> -> memref<256xi32, #tpu.memory_space<vmem>>
      %dma_start3A_357 = arith.constant 0 : i32
      %dma_start3A_358 = arith.constant 0 : i32
      %dma_start3A_359 = tpu.memref_slice %arg2[%dma_start3A_357, %dma_start3A_358] : memref<10240x64xf32, #tpu.memory_space<hbm>> -> memref<10240x64xf32, #tpu.memory_space<hbm>>
      tpu.enqueue_indirect_dma source(%dma_start3A_359 : memref<10240x64xf32, #tpu.memory_space<hbm>>) target(%dma_start3A_355 : memref<256x64xf32, #tpu.memory_space<vmem>>) offsets(%dma_start3A_356 : memref<256xi32, #tpu.memory_space<vmem>>) semaphore(%arg13 : memref<!tpu.dma_semaphore, #tpu.memory_space<semaphore_mem>>)
      %add3A_360 = arith.constant 3 : i32
      %add3A_361 = arith.addi %mul3A_171, %add3A_360 : i32
      %mul3A_362 = arith.constant 256 : i32
      %mul3A_363 = arith.muli %add3A_361, %mul3A_362 : i32
      %dma_wait3A_364 = arith.constant 3 : i32
      %dma_wait3A_365 = arith.constant 0 : i32
      %dma_wait3A_366 = arith.constant 0 : i32
      %dma_wait3A_367 = tpu.memref_slice %arg9[%dma_wait3A_364, %dma_wait3A_365, %dma_wait3A_366] : memref<4x256x64xf32, #tpu.memory_space<vmem>> -> memref<1x256x64xf32, #tpu.memory_space<vmem>>
      %dma_wait3A_368 = tpu.memref_squeeze %dma_wait3A_367 : memref<1x256x64xf32, #tpu.memory_space<vmem>> -> memref<256x64xf32, #tpu.memory_space<vmem>>
      %dma_wait3A_369 = tpu.memref_slice %arg8[%mul3A_363] : memref<10240xi32, #tpu.memory_space<vmem>> -> memref<256xi32, #tpu.memory_space<vmem>>
      %dma_wait3A_370 = arith.constant 0 : i32
      %dma_wait3A_371 = arith.constant 0 : i32
      %dma_wait3A_372 = tpu.memref_slice %arg10[%dma_wait3A_370, %dma_wait3A_371] : memref<10240x64xf32, #tpu.memory_space<vmem_shared>> -> memref<10240x64xf32, #tpu.memory_space<vmem_shared>>
      tpu.wait_indirect_dma semaphore(%arg18 : memref<!tpu.dma_semaphore, #tpu.memory_space<semaphore_mem>>) src(%dma_wait3A_368 : memref<256x64xf32, #tpu.memory_space<vmem>>) dst(%dma_wait3A_372 : memref<10240x64xf32, #tpu.memory_space<vmem_shared>>)
      %add3A_373 = arith.constant 3 : i32
      %add3A_374 = arith.addi %mul3A_171, %add3A_373 : i32
      %add3A_375 = arith.constant 4 : i32
      %add3A_376 = arith.addi %add3A_374, %add3A_375 : i32
      %mul3A_377 = arith.constant 256 : i32
      %mul3A_378 = arith.muli %add3A_376, %mul3A_377 : i32
      %dma_start3A_379 = arith.constant 3 : i32
      %dma_start3A_380 = arith.constant 0 : i32
      %dma_start3A_381 = arith.constant 0 : i32
      %dma_start3A_382 = tpu.memref_slice %arg9[%dma_start3A_379, %dma_start3A_380, %dma_start3A_381] : memref<4x256x64xf32, #tpu.memory_space<vmem>> -> memref<1x256x64xf32, #tpu.memory_space<vmem>>
      %dma_start3A_383 = tpu.memref_squeeze %dma_start3A_382 : memref<1x256x64xf32, #tpu.memory_space<vmem>> -> memref<256x64xf32, #tpu.memory_space<vmem>>
      %dma_start3A_384 = tpu.memref_slice %arg7[%mul3A_378] : memref<10240xi32, #tpu.memory_space<vmem>> -> memref<256xi32, #tpu.memory_space<vmem>>
      %dma_start3A_385 = arith.constant 0 : i32
      %dma_start3A_386 = arith.constant 0 : i32
      %dma_start3A_387 = tpu.memref_slice %arg2[%dma_start3A_385, %dma_start3A_386] : memref<10240x64xf32, #tpu.memory_space<hbm>> -> memref<10240x64xf32, #tpu.memory_space<hbm>>
      tpu.enqueue_indirect_dma source(%dma_start3A_387 : memref<10240x64xf32, #tpu.memory_space<hbm>>) target(%dma_start3A_383 : memref<256x64xf32, #tpu.memory_space<vmem>>) offsets(%dma_start3A_384 : memref<256xi32, #tpu.memory_space<vmem>>) semaphore(%arg14 : memref<!tpu.dma_semaphore, #tpu.memory_space<semaphore_mem>>)
      %scan3A_388 = arith.constant 0 : i32
      scf.yield %scan3A_388 : i32
    }
    %scan3A_47 = arith.constant 9 : i32
    %dma_wait3A = arith.constant 0 : i32
    %dma_wait3A_48 = arith.constant 0 : i32
    %dma_wait3A_49 = arith.constant 0 : i32
    %dma_wait3A_50 = tpu.memref_slice %arg9[%dma_wait3A, %dma_wait3A_48, %dma_wait3A_49] : memref<4x256x64xf32, #tpu.memory_space<vmem>> -> memref<1x256x64xf32, #tpu.memory_space<vmem>>
    %dma_wait3A_51 = tpu.memref_squeeze %dma_wait3A_50 : memref<1x256x64xf32, #tpu.memory_space<vmem>> -> memref<256x64xf32, #tpu.memory_space<vmem>>
    %dma_wait3A_52 = arith.constant 9216 : i32
    %dma_wait3A_53 = tpu.memref_slice %arg7[%dma_wait3A_52] : memref<10240xi32, #tpu.memory_space<vmem>> -> memref<256xi32, #tpu.memory_space<vmem>>
    %dma_wait3A_54 = arith.constant 0 : i32
    %dma_wait3A_55 = arith.constant 0 : i32
    %dma_wait3A_56 = tpu.memref_slice %arg2[%dma_wait3A_54, %dma_wait3A_55] : memref<10240x64xf32, #tpu.memory_space<hbm>> -> memref<10240x64xf32, #tpu.memory_space<hbm>>
    tpu.wait_indirect_dma semaphore(%arg11 : memref<!tpu.dma_semaphore, #tpu.memory_space<semaphore_mem>>) src(%dma_wait3A_56 : memref<10240x64xf32, #tpu.memory_space<hbm>>) dst(%dma_wait3A_51 : memref<256x64xf32, #tpu.memory_space<vmem>>)
    %dma_start3A_57 = arith.constant 0 : i32
    %dma_start3A_58 = arith.constant 0 : i32
    %dma_start3A_59 = arith.constant 0 : i32
    %dma_start3A_60 = tpu.memref_slice %arg9[%dma_start3A_57, %dma_start3A_58, %dma_start3A_59] : memref<4x256x64xf32, #tpu.memory_space<vmem>> -> memref<1x256x64xf32, #tpu.memory_space<vmem>>
    %dma_start3A_61 = tpu.memref_squeeze %dma_start3A_60 : memref<1x256x64xf32, #tpu.memory_space<vmem>> -> memref<256x64xf32, #tpu.memory_space<vmem>>
    %dma_start3A_62 = arith.constant 9216 : i32
    %dma_start3A_63 = tpu.memref_slice %arg8[%dma_start3A_62] : memref<10240xi32, #tpu.memory_space<vmem>> -> memref<256xi32, #tpu.memory_space<vmem>>
    %dma_start3A_64 = arith.constant 0 : i32
    %dma_start3A_65 = arith.constant 0 : i32
    %dma_start3A_66 = tpu.memref_slice %arg10[%dma_start3A_64, %dma_start3A_65] : memref<10240x64xf32, #tpu.memory_space<vmem_shared>> -> memref<10240x64xf32, #tpu.memory_space<vmem_shared>>
    tpu.enqueue_indirect_dma source(%dma_start3A_61 : memref<256x64xf32, #tpu.memory_space<vmem>>) target(%dma_start3A_66 : memref<10240x64xf32, #tpu.memory_space<vmem_shared>>) offsets(%dma_start3A_63 : memref<256xi32, #tpu.memory_space<vmem>>) semaphore(%arg15 : memref<!tpu.dma_semaphore, #tpu.memory_space<semaphore_mem>>) {add = true}
    %dma_wait3A_67 = arith.constant 1 : i32
    %dma_wait3A_68 = arith.constant 0 : i32
    %dma_wait3A_69 = arith.constant 0 : i32
    %dma_wait3A_70 = tpu.memref_slice %arg9[%dma_wait3A_67, %dma_wait3A_68, %dma_wait3A_69] : memref<4x256x64xf32, #tpu.memory_space<vmem>> -> memref<1x256x64xf32, #tpu.memory_space<vmem>>
    %dma_wait3A_71 = tpu.memref_squeeze %dma_wait3A_70 : memref<1x256x64xf32, #tpu.memory_space<vmem>> -> memref<256x64xf32, #tpu.memory_space<vmem>>
    %dma_wait3A_72 = arith.constant 9472 : i32
    %dma_wait3A_73 = tpu.memref_slice %arg7[%dma_wait3A_72] : memref<10240xi32, #tpu.memory_space<vmem>> -> memref<256xi32, #tpu.memory_space<vmem>>
    %dma_wait3A_74 = arith.constant 0 : i32
    %dma_wait3A_75 = arith.constant 0 : i32
    %dma_wait3A_76 = tpu.memref_slice %arg2[%dma_wait3A_74, %dma_wait3A_75] : memref<10240x64xf32, #tpu.memory_space<hbm>> -> memref<10240x64xf32, #tpu.memory_space<hbm>>
    tpu.wait_indirect_dma semaphore(%arg12 : memref<!tpu.dma_semaphore, #tpu.memory_space<semaphore_mem>>) src(%dma_wait3A_76 : memref<10240x64xf32, #tpu.memory_space<hbm>>) dst(%dma_wait3A_71 : memref<256x64xf32, #tpu.memory_space<vmem>>)
    %dma_start3A_77 = arith.constant 1 : i32
    %dma_start3A_78 = arith.constant 0 : i32
    %dma_start3A_79 = arith.constant 0 : i32
    %dma_start3A_80 = tpu.memref_slice %arg9[%dma_start3A_77, %dma_start3A_78, %dma_start3A_79] : memref<4x256x64xf32, #tpu.memory_space<vmem>> -> memref<1x256x64xf32, #tpu.memory_space<vmem>>
    %dma_start3A_81 = tpu.memref_squeeze %dma_start3A_80 : memref<1x256x64xf32, #tpu.memory_space<vmem>> -> memref<256x64xf32, #tpu.memory_space<vmem>>
    %dma_start3A_82 = arith.constant 9472 : i32
    %dma_start3A_83 = tpu.memref_slice %arg8[%dma_start3A_82] : memref<10240xi32, #tpu.memory_space<vmem>> -> memref<256xi32, #tpu.memory_space<vmem>>
    %dma_start3A_84 = arith.constant 0 : i32
    %dma_start3A_85 = arith.constant 0 : i32
    %dma_start3A_86 = tpu.memref_slice %arg10[%dma_start3A_84, %dma_start3A_85] : memref<10240x64xf32, #tpu.memory_space<vmem_shared>> -> memref<10240x64xf32, #tpu.memory_space<vmem_shared>>
    tpu.enqueue_indirect_dma source(%dma_start3A_81 : memref<256x64xf32, #tpu.memory_space<vmem>>) target(%dma_start3A_86 : memref<10240x64xf32, #tpu.memory_space<vmem_shared>>) offsets(%dma_start3A_83 : memref<256xi32, #tpu.memory_space<vmem>>) semaphore(%arg16 : memref<!tpu.dma_semaphore, #tpu.memory_space<semaphore_mem>>) {add = true}
    %dma_wait3A_87 = arith.constant 2 : i32
    %dma_wait3A_88 = arith.constant 0 : i32
    %dma_wait3A_89 = arith.constant 0 : i32
    %dma_wait3A_90 = tpu.memref_slice %arg9[%dma_wait3A_87, %dma_wait3A_88, %dma_wait3A_89] : memref<4x256x64xf32, #tpu.memory_space<vmem>> -> memref<1x256x64xf32, #tpu.memory_space<vmem>>
    %dma_wait3A_91 = tpu.memref_squeeze %dma_wait3A_90 : memref<1x256x64xf32, #tpu.memory_space<vmem>> -> memref<256x64xf32, #tpu.memory_space<vmem>>
    %dma_wait3A_92 = arith.constant 9728 : i32
    %dma_wait3A_93 = tpu.memref_slice %arg7[%dma_wait3A_92] : memref<10240xi32, #tpu.memory_space<vmem>> -> memref<256xi32, #tpu.memory_space<vmem>>
    %dma_wait3A_94 = arith.constant 0 : i32
    %dma_wait3A_95 = arith.constant 0 : i32
    %dma_wait3A_96 = tpu.memref_slice %arg2[%dma_wait3A_94, %dma_wait3A_95] : memref<10240x64xf32, #tpu.memory_space<hbm>> -> memref<10240x64xf32, #tpu.memory_space<hbm>>
    tpu.wait_indirect_dma semaphore(%arg13 : memref<!tpu.dma_semaphore, #tpu.memory_space<semaphore_mem>>) src(%dma_wait3A_96 : memref<10240x64xf32, #tpu.memory_space<hbm>>) dst(%dma_wait3A_91 : memref<256x64xf32, #tpu.memory_space<vmem>>)
    %dma_start3A_97 = arith.constant 2 : i32
    %dma_start3A_98 = arith.constant 0 : i32
    %dma_start3A_99 = arith.constant 0 : i32
    %dma_start3A_100 = tpu.memref_slice %arg9[%dma_start3A_97, %dma_start3A_98, %dma_start3A_99] : memref<4x256x64xf32, #tpu.memory_space<vmem>> -> memref<1x256x64xf32, #tpu.memory_space<vmem>>
    %dma_start3A_101 = tpu.memref_squeeze %dma_start3A_100 : memref<1x256x64xf32, #tpu.memory_space<vmem>> -> memref<256x64xf32, #tpu.memory_space<vmem>>
    %dma_start3A_102 = arith.constant 9728 : i32
    %dma_start3A_103 = tpu.memref_slice %arg8[%dma_start3A_102] : memref<10240xi32, #tpu.memory_space<vmem>> -> memref<256xi32, #tpu.memory_space<vmem>>
    %dma_start3A_104 = arith.constant 0 : i32
    %dma_start3A_105 = arith.constant 0 : i32
    %dma_start3A_106 = tpu.memref_slice %arg10[%dma_start3A_104, %dma_start3A_105] : memref<10240x64xf32, #tpu.memory_space<vmem_shared>> -> memref<10240x64xf32, #tpu.memory_space<vmem_shared>>
    tpu.enqueue_indirect_dma source(%dma_start3A_101 : memref<256x64xf32, #tpu.memory_space<vmem>>) target(%dma_start3A_106 : memref<10240x64xf32, #tpu.memory_space<vmem_shared>>) offsets(%dma_start3A_103 : memref<256xi32, #tpu.memory_space<vmem>>) semaphore(%arg17 : memref<!tpu.dma_semaphore, #tpu.memory_space<semaphore_mem>>) {add = true}
    %dma_wait3A_107 = arith.constant 3 : i32
    %dma_wait3A_108 = arith.constant 0 : i32
    %dma_wait3A_109 = arith.constant 0 : i32
    %dma_wait3A_110 = tpu.memref_slice %arg9[%dma_wait3A_107, %dma_wait3A_108, %dma_wait3A_109] : memref<4x256x64xf32, #tpu.memory_space<vmem>> -> memref<1x256x64xf32, #tpu.memory_space<vmem>>
    %dma_wait3A_111 = tpu.memref_squeeze %dma_wait3A_110 : memref<1x256x64xf32, #tpu.memory_space<vmem>> -> memref<256x64xf32, #tpu.memory_space<vmem>>
    %dma_wait3A_112 = arith.constant 9984 : i32
    %dma_wait3A_113 = tpu.memref_slice %arg7[%dma_wait3A_112] : memref<10240xi32, #tpu.memory_space<vmem>> -> memref<256xi32, #tpu.memory_space<vmem>>
    %dma_wait3A_114 = arith.constant 0 : i32
    %dma_wait3A_115 = arith.constant 0 : i32
    %dma_wait3A_116 = tpu.memref_slice %arg2[%dma_wait3A_114, %dma_wait3A_115] : memref<10240x64xf32, #tpu.memory_space<hbm>> -> memref<10240x64xf32, #tpu.memory_space<hbm>>
    tpu.wait_indirect_dma semaphore(%arg14 : memref<!tpu.dma_semaphore, #tpu.memory_space<semaphore_mem>>) src(%dma_wait3A_116 : memref<10240x64xf32, #tpu.memory_space<hbm>>) dst(%dma_wait3A_111 : memref<256x64xf32, #tpu.memory_space<vmem>>)
    %dma_start3A_117 = arith.constant 3 : i32
    %dma_start3A_118 = arith.constant 0 : i32
    %dma_start3A_119 = arith.constant 0 : i32
    %dma_start3A_120 = tpu.memref_slice %arg9[%dma_start3A_117, %dma_start3A_118, %dma_start3A_119] : memref<4x256x64xf32, #tpu.memory_space<vmem>> -> memref<1x256x64xf32, #tpu.memory_space<vmem>>
    %dma_start3A_121 = tpu.memref_squeeze %dma_start3A_120 : memref<1x256x64xf32, #tpu.memory_space<vmem>> -> memref<256x64xf32, #tpu.memory_space<vmem>>
    %dma_start3A_122 = arith.constant 9984 : i32
    %dma_start3A_123 = tpu.memref_slice %arg8[%dma_start3A_122] : memref<10240xi32, #tpu.memory_space<vmem>> -> memref<256xi32, #tpu.memory_space<vmem>>
    %dma_start3A_124 = arith.constant 0 : i32
    %dma_start3A_125 = arith.constant 0 : i32
    %dma_start3A_126 = tpu.memref_slice %arg10[%dma_start3A_124, %dma_start3A_125] : memref<10240x64xf32, #tpu.memory_space<vmem_shared>> -> memref<10240x64xf32, #tpu.memory_space<vmem_shared>>
    tpu.enqueue_indirect_dma source(%dma_start3A_121 : memref<256x64xf32, #tpu.memory_space<vmem>>) target(%dma_start3A_126 : memref<10240x64xf32, #tpu.memory_space<vmem_shared>>) offsets(%dma_start3A_123 : memref<256xi32, #tpu.memory_space<vmem>>) semaphore(%arg18 : memref<!tpu.dma_semaphore, #tpu.memory_space<semaphore_mem>>) {add = true}
    %dma_wait3A_127 = arith.constant 0 : i32
    %dma_wait3A_128 = arith.constant 0 : i32
    %dma_wait3A_129 = arith.constant 0 : i32
    %dma_wait3A_130 = tpu.memref_slice %arg9[%dma_wait3A_127, %dma_wait3A_128, %dma_wait3A_129] : memref<4x256x64xf32, #tpu.memory_space<vmem>> -> memref<1x256x64xf32, #tpu.memory_space<vmem>>
    %dma_wait3A_131 = tpu.memref_squeeze %dma_wait3A_130 : memref<1x256x64xf32, #tpu.memory_space<vmem>> -> memref<256x64xf32, #tpu.memory_space<vmem>>
    %dma_wait3A_132 = arith.constant 9216 : i32
    %dma_wait3A_133 = tpu.memref_slice %arg8[%dma_wait3A_132] : memref<10240xi32, #tpu.memory_space<vmem>> -> memref<256xi32, #tpu.memory_space<vmem>>
    %dma_wait3A_134 = arith.constant 0 : i32
    %dma_wait3A_135 = arith.constant 0 : i32
    %dma_wait3A_136 = tpu.memref_slice %arg10[%dma_wait3A_134, %dma_wait3A_135] : memref<10240x64xf32, #tpu.memory_space<vmem_shared>> -> memref<10240x64xf32, #tpu.memory_space<vmem_shared>>
    tpu.wait_indirect_dma semaphore(%arg15 : memref<!tpu.dma_semaphore, #tpu.memory_space<semaphore_mem>>) src(%dma_wait3A_131 : memref<256x64xf32, #tpu.memory_space<vmem>>) dst(%dma_wait3A_136 : memref<10240x64xf32, #tpu.memory_space<vmem_shared>>)
    %dma_wait3A_137 = arith.constant 1 : i32
    %dma_wait3A_138 = arith.constant 0 : i32
    %dma_wait3A_139 = arith.constant 0 : i32
    %dma_wait3A_140 = tpu.memref_slice %arg9[%dma_wait3A_137, %dma_wait3A_138, %dma_wait3A_139] : memref<4x256x64xf32, #tpu.memory_space<vmem>> -> memref<1x256x64xf32, #tpu.memory_space<vmem>>
    %dma_wait3A_141 = tpu.memref_squeeze %dma_wait3A_140 : memref<1x256x64xf32, #tpu.memory_space<vmem>> -> memref<256x64xf32, #tpu.memory_space<vmem>>
    %dma_wait3A_142 = arith.constant 9472 : i32
    %dma_wait3A_143 = tpu.memref_slice %arg8[%dma_wait3A_142] : memref<10240xi32, #tpu.memory_space<vmem>> -> memref<256xi32, #tpu.memory_space<vmem>>
    %dma_wait3A_144 = arith.constant 0 : i32
    %dma_wait3A_145 = arith.constant 0 : i32
    %dma_wait3A_146 = tpu.memref_slice %arg10[%dma_wait3A_144, %dma_wait3A_145] : memref<10240x64xf32, #tpu.memory_space<vmem_shared>> -> memref<10240x64xf32, #tpu.memory_space<vmem_shared>>
    tpu.wait_indirect_dma semaphore(%arg16 : memref<!tpu.dma_semaphore, #tpu.memory_space<semaphore_mem>>) src(%dma_wait3A_141 : memref<256x64xf32, #tpu.memory_space<vmem>>) dst(%dma_wait3A_146 : memref<10240x64xf32, #tpu.memory_space<vmem_shared>>)
    %dma_wait3A_147 = arith.constant 2 : i32
    %dma_wait3A_148 = arith.constant 0 : i32
    %dma_wait3A_149 = arith.constant 0 : i32
    %dma_wait3A_150 = tpu.memref_slice %arg9[%dma_wait3A_147, %dma_wait3A_148, %dma_wait3A_149] : memref<4x256x64xf32, #tpu.memory_space<vmem>> -> memref<1x256x64xf32, #tpu.memory_space<vmem>>
    %dma_wait3A_151 = tpu.memref_squeeze %dma_wait3A_150 : memref<1x256x64xf32, #tpu.memory_space<vmem>> -> memref<256x64xf32, #tpu.memory_space<vmem>>
    %dma_wait3A_152 = arith.constant 9728 : i32
    %dma_wait3A_153 = tpu.memref_slice %arg8[%dma_wait3A_152] : memref<10240xi32, #tpu.memory_space<vmem>> -> memref<256xi32, #tpu.memory_space<vmem>>
    %dma_wait3A_154 = arith.constant 0 : i32
    %dma_wait3A_155 = arith.constant 0 : i32
    %dma_wait3A_156 = tpu.memref_slice %arg10[%dma_wait3A_154, %dma_wait3A_155] : memref<10240x64xf32, #tpu.memory_space<vmem_shared>> -> memref<10240x64xf32, #tpu.memory_space<vmem_shared>>
    tpu.wait_indirect_dma semaphore(%arg17 : memref<!tpu.dma_semaphore, #tpu.memory_space<semaphore_mem>>) src(%dma_wait3A_151 : memref<256x64xf32, #tpu.memory_space<vmem>>) dst(%dma_wait3A_156 : memref<10240x64xf32, #tpu.memory_space<vmem_shared>>)
    %dma_wait3A_157 = arith.constant 3 : i32
    %dma_wait3A_158 = arith.constant 0 : i32
    %dma_wait3A_159 = arith.constant 0 : i32
    %dma_wait3A_160 = tpu.memref_slice %arg9[%dma_wait3A_157, %dma_wait3A_158, %dma_wait3A_159] : memref<4x256x64xf32, #tpu.memory_space<vmem>> -> memref<1x256x64xf32, #tpu.memory_space<vmem>>
    %dma_wait3A_161 = tpu.memref_squeeze %dma_wait3A_160 : memref<1x256x64xf32, #tpu.memory_space<vmem>> -> memref<256x64xf32, #tpu.memory_space<vmem>>
    %dma_wait3A_162 = arith.constant 9984 : i32
    %dma_wait3A_163 = tpu.memref_slice %arg8[%dma_wait3A_162] : memref<10240xi32, #tpu.memory_space<vmem>> -> memref<256xi32, #tpu.memory_space<vmem>>
    %dma_wait3A_164 = arith.constant 0 : i32
    %dma_wait3A_165 = arith.constant 0 : i32
    %dma_wait3A_166 = tpu.memref_slice %arg10[%dma_wait3A_164, %dma_wait3A_165] : memref<10240x64xf32, #tpu.memory_space<vmem_shared>> -> memref<10240x64xf32, #tpu.memory_space<vmem_shared>>
    tpu.wait_indirect_dma semaphore(%arg18 : memref<!tpu.dma_semaphore, #tpu.memory_space<semaphore_mem>>) src(%dma_wait3A_161 : memref<256x64xf32, #tpu.memory_space<vmem>>) dst(%dma_wait3A_166 : memref<10240x64xf32, #tpu.memory_space<vmem_shared>>)
    %barrier3A_167 = arith.constant 0 : index
    tpu.barrier barrier_id(%barrier3A_167)
    "tpu.region"() ({
      %run_scoped3A = tpu.sem_alloc : memref<!tpu.dma_semaphore, #tpu.memory_space<semaphore_mem>>
      %dma_start3A_168 = arith.constant 0 : i32
      %dma_start3A_169 = tpu.memref_slice %arg6[%arg0, %mul3A_2, %dma_start3A_168] : memref<2x10240x64xf32, #tpu.memory_space<hbm>> -> memref<1x640x64xf32, #tpu.memory_space<hbm>>
      %dma_start3A_170 = tpu.memref_squeeze %dma_start3A_169 : memref<1x640x64xf32, #tpu.memory_space<hbm>> -> memref<640x64xf32, #tpu.memory_space<hbm>>
      %dma_start3A_171 = arith.constant 0 : i32
      %dma_start3A_172 = tpu.memref_slice %arg10[%mul3A_2, %dma_start3A_171] : memref<10240x64xf32, #tpu.memory_space<vmem_shared>> -> memref<640x64xf32, #tpu.memory_space<vmem_shared>>
      tpu.enqueue_dma source(%dma_start3A_172 : memref<640x64xf32, #tpu.memory_space<vmem_shared>>) target(%dma_start3A_170 : memref<640x64xf32, #tpu.memory_space<hbm>>) target_semaphore(%run_scoped3A : memref<!tpu.dma_semaphore, #tpu.memory_space<semaphore_mem>>)
      %dma_wait3A_173 = arith.constant 0 : i32
      %dma_wait3A_174 = tpu.memref_slice %arg6[%arg0, %mul3A_2, %dma_wait3A_173] : memref<2x10240x64xf32, #tpu.memory_space<hbm>> -> memref<1x640x64xf32, #tpu.memory_space<hbm>>
      %dma_wait3A_175 = tpu.memref_squeeze %dma_wait3A_174 : memref<1x640x64xf32, #tpu.memory_space<hbm>> -> memref<640x64xf32, #tpu.memory_space<hbm>>
      %dma_wait3A_176 = arith.constant 0 : i32
      %dma_wait3A_177 = tpu.memref_slice %arg10[%mul3A_2, %dma_wait3A_176] : memref<10240x64xf32, #tpu.memory_space<vmem_shared>> -> memref<640x64xf32, #tpu.memory_space<vmem_shared>>
      tpu.wait_dma2 semaphore(%run_scoped3A : memref<!tpu.dma_semaphore, #tpu.memory_space<semaphore_mem>>) src(%dma_wait3A_177 : memref<640x64xf32, #tpu.memory_space<vmem_shared>>) dst(%dma_wait3A_175 : memref<640x64xf32, #tpu.memory_space<hbm>>)
      tpu.yield
    }) : () -> ()
    return
  }
}

module attributes {stable_mosaic.version = 14 : i64} {
  func.func @_mm_body(%arg0: i32, %arg1: memref<2048x128xf32, #tpu.memory_space<vmem>>, %arg2: memref<128x128xf32, #tpu.memory_space<vmem>>, %arg3: memref<128x64xf32, #tpu.memory_space<vmem>>, %arg4: memref<32x2048xf32, #tpu.memory_space<vmem>>, %arg5: memref<2048x64xf32, #tpu.memory_space<vmem>>, %arg6: memref<2048x1xf32, #tpu.memory_space<vmem>>) attributes {dimension_semantics = [#tpu.dimension_semantics<arbitrary>], iteration_bounds = array<i64: 5>, scalar_prefetch = 0 : i64, scratch_operands = 0 : i64, tpu.core_type = #tpu.core_type<tc>, window_params = [{transform_indices = @transform_0, window_bounds = array<i64: 2048, 128>}, {pipeline_mode = #tpu.pipeline_mode<synchronous>, transform_indices = @transform_1, window_bounds = array<i64: 128, 128>}, {pipeline_mode = #tpu.pipeline_mode<synchronous>, transform_indices = @transform_2, window_bounds = array<i64: 128, 64>}, {transform_indices = @transform_3, window_bounds = array<i64: 32, 2048>}, {transform_indices = @transform_4, window_bounds = array<i64: 2048, 64>}, {transform_indices = @transform_5, window_bounds = array<i64: 2048, 1>}]} {
    %get3A = arith.constant 0 : index
    %get3A_0 = arith.constant 0 : index
    %get3A_1 = vector.load %arg4[%get3A, %get3A_0] : memref<32x2048xf32, #tpu.memory_space<vmem>>, vector<32x2048xf32>
    %reduce_sum3A = arith.constant dense<0.000000e+00> : vector<2048xf32>
    %reduce_sum3A_2 = vector.multi_reduction <add>, %get3A_1, %reduce_sum3A [0] : vector<32x2048xf32> to vector<2048xf32>
    %max3A = arith.constant 1.000000e+00 : f32
    %max3A_3 = vector.broadcast %max3A : f32 to vector<2048xf32>
    %max3A_4 = arith.maximumf %reduce_sum3A_2, %max3A_3 : vector<2048xf32>
    %rsqrt3A = math.rsqrt %max3A_4 : vector<2048xf32>
    %get3A_5 = arith.constant 0 : index
    %get3A_6 = arith.constant 0 : index
    %get3A_7 = vector.load %arg1[%get3A_5, %get3A_6] : memref<2048x128xf32, #tpu.memory_space<vmem>>, vector<2048x128xf32>
    %get3A_8 = arith.constant 0 : index
    %get3A_9 = arith.constant 0 : index
    %get3A_10 = vector.load %arg2[%get3A_8, %get3A_9] : memref<128x128xf32, #tpu.memory_space<vmem>>, vector<128x128xf32>
    %dot_general3A = arith.constant dense<0.000000e+00> : vector<2048x128xf32>
    %dot_general3A_11 = tpu.matmul %get3A_7, %get3A_10, %dot_general3A {dimension_numbers = #tpu.dot_dimension_numbers<[1], [0], [0], [1], [0, 0, 1, 1], [], []>, transpose_lhs_hint = false} : vector<2048x128xf32>, vector<128x128xf32>, vector<2048x128xf32> -> vector<2048x128xf32>
    %get3A_12 = arith.constant 0 : index
    %get3A_13 = arith.constant 0 : index
    %get3A_14 = vector.load %arg3[%get3A_12, %get3A_13] : memref<128x64xf32, #tpu.memory_space<vmem>>, vector<128x64xf32>
    %dot_general3A_15 = arith.constant dense<0.000000e+00> : vector<2048x64xf32>
    %dot_general3A_16 = tpu.matmul %dot_general3A_11, %get3A_14, %dot_general3A_15 {dimension_numbers = #tpu.dot_dimension_numbers<[1], [0], [0], [1], [0, 0, 1, 1], [], []>, transpose_lhs_hint = false} : vector<2048x128xf32>, vector<128x64xf32>, vector<2048x64xf32> -> vector<2048x64xf32>
    %mul3A = arith.constant 2048 : i32
    %mul3A_17 = arith.muli %arg0, %mul3A : i32
    %iota3A = tpu.iota {dimensions = array<i32: 0>} : vector<2048x1xi32>
    %add3A = vector.broadcast %mul3A_17 : i32 to vector<2048x1xi32>
    %add3A_18 = arith.addi %add3A, %iota3A : vector<2048x1xi32>
    %lt3A = arith.constant 10000 : i32
    %lt3A_19 = vector.broadcast %lt3A : i32 to vector<2048x1xi32>
    %lt3A_20 = arith.cmpi slt, %add3A_18, %lt3A_19 : vector<2048x1xi32>
    %broadcast_in_dim3A = vector.shape_cast %rsqrt3A : vector<2048xf32> to vector<2048x1xf32>
    %mul3A_21 = vector.broadcast %broadcast_in_dim3A : vector<2048x1xf32> to vector<2048x64xf32>
    %mul3A_22 = arith.mulf %dot_general3A_16, %mul3A_21 : vector<2048x64xf32>
    %jit3A = arith.constant 0.000000e+00 : f32
    %broadcast_in_dim3A_23 = vector.shape_cast %lt3A_20 : vector<2048x1xi1> to vector<2048x1xi1>
    %broadcast_in_dim3A_24 = vector.broadcast %broadcast_in_dim3A_23 : vector<2048x1xi1> to vector<2048x64xi1>
    %broadcast_in_dim3A_25 = vector.broadcast %jit3A : f32 to vector<2048x64xf32>
    %select_n3A = arith.select %broadcast_in_dim3A_24, %mul3A_22, %broadcast_in_dim3A_25 : vector<2048x64xi1>, vector<2048x64xf32>
    %swap3A = arith.constant 0 : index
    %swap3A_26 = arith.constant 0 : index
    %swap3A_27 = vector.load %arg5[%swap3A, %swap3A_26] : memref<2048x64xf32, #tpu.memory_space<vmem>>, vector<2048x64xf32>
    tpu.vector_store %arg5[%swap3A, %swap3A_26], %select_n3A {strides = array<i32>} : memref<2048x64xf32, #tpu.memory_space<vmem>>, vector<2048x64xf32>,
    %broadcast_in_dim3A_28 = vector.shape_cast %reduce_sum3A_2 : vector<2048xf32> to vector<2048x1xf32>
    %swap3A_29 = arith.constant 0 : index
    %swap3A_30 = arith.constant 0 : index
    %swap3A_31 = vector.load %arg6[%swap3A_29, %swap3A_30] : memref<2048x1xf32, #tpu.memory_space<vmem>>, vector<2048x1xf32>
    tpu.vector_store %arg6[%swap3A_29, %swap3A_30], %broadcast_in_dim3A_28 {strides = array<i32>} : memref<2048x1xf32, #tpu.memory_space<vmem>>, vector<2048x1xf32>,
    return
  }
  func.func @transform_0(%arg0: i32) -> (i32, i32) {
    %c0_i32 = arith.constant 0 : i32
    %c0_i32_0 = arith.constant 0 : i32
    return %arg0, %c0_i32 : i32, i32
  }
  func.func @transform_1(%arg0: i32) -> (i32, i32) {
    %c0_i32 = arith.constant 0 : i32
    %c0_i32_0 = arith.constant 0 : i32
    %c0_i32_1 = arith.constant 0 : i32
    return %c0_i32, %c0_i32_0 : i32, i32
  }
  func.func @transform_2(%arg0: i32) -> (i32, i32) {
    %c0_i32 = arith.constant 0 : i32
    %c0_i32_0 = arith.constant 0 : i32
    %c0_i32_1 = arith.constant 0 : i32
    return %c0_i32, %c0_i32_0 : i32, i32
  }
  func.func @transform_3(%arg0: i32) -> (i32, i32) {
    %c0_i32 = arith.constant 0 : i32
    %c0_i32_0 = arith.constant 0 : i32
    return %c0_i32, %arg0 : i32, i32
  }
  func.func @transform_4(%arg0: i32) -> (i32, i32) {
    %c0_i32 = arith.constant 0 : i32
    %c0_i32_0 = arith.constant 0 : i32
    return %arg0, %c0_i32 : i32, i32
  }
  func.func @transform_5(%arg0: i32) -> (i32, i32) {
    %c0_i32 = arith.constant 0 : i32
    %c0_i32_0 = arith.constant 0 : i32
    return %arg0, %c0_i32 : i32, i32
  }
}

module attributes {stable_mosaic.version = 14 : i64} {
  func.func @_mid_body(%arg0: i32, %arg1: memref<2x2048x64xf32, #tpu.memory_space<vmem>>, %arg2: memref<2048x1xf32, #tpu.memory_space<vmem>>, %arg3: memref<2048x64xf32, #tpu.memory_space<vmem>>) attributes {dimension_semantics = [#tpu.dimension_semantics<arbitrary>], iteration_bounds = array<i64: 5>, scalar_prefetch = 0 : i64, scratch_operands = 0 : i64, tpu.core_type = #tpu.core_type<tc>, window_params = [{transform_indices = @transform_0, window_bounds = array<i64: 2, 2048, 64>}, {transform_indices = @transform_1, window_bounds = array<i64: 2048, 1>}, {transform_indices = @transform_2, window_bounds = array<i64: 2048, 64>}]} {
    %get3A = arith.constant 0 : index
    %get3A_0 = arith.constant 0 : index
    %get3A_1 = arith.constant 0 : index
    %get3A_2 = vector.load %arg1[%get3A, %get3A_0, %get3A_1] : memref<2x2048x64xf32, #tpu.memory_space<vmem>>, vector<1x2048x64xf32>
    %get3A_3 = vector.shape_cast %get3A_2 : vector<1x2048x64xf32> to vector<2048x64xf32>
    %get3A_4 = arith.constant 1 : index
    %get3A_5 = arith.constant 0 : index
    %get3A_6 = arith.constant 0 : index
    %get3A_7 = vector.load %arg1[%get3A_4, %get3A_5, %get3A_6] : memref<2x2048x64xf32, #tpu.memory_space<vmem>>, vector<1x2048x64xf32>
    %get3A_8 = vector.shape_cast %get3A_7 : vector<1x2048x64xf32> to vector<2048x64xf32>
    %add3A = arith.addf %get3A_3, %get3A_8 : vector<2048x64xf32>
    %get3A_9 = arith.constant 0 : index
    %get3A_10 = arith.constant 0 : index
    %get3A_11 = vector.load %arg2[%get3A_9, %get3A_10] : memref<2048x1xf32, #tpu.memory_space<vmem>>, vector<2048x1xf32>
    %max3A = arith.constant 1.000000e+00 : f32
    %max3A_12 = vector.broadcast %max3A : f32 to vector<2048x1xf32>
    %max3A_13 = arith.maximumf %get3A_11, %max3A_12 : vector<2048x1xf32>
    %div3A = vector.broadcast %max3A_13 : vector<2048x1xf32> to vector<2048x64xf32>
    %div3A_14 = arith.divf %add3A, %div3A : vector<2048x64xf32>
    %swap3A = arith.constant 0 : index
    %swap3A_15 = arith.constant 0 : index
    %swap3A_16 = vector.load %arg3[%swap3A, %swap3A_15] : memref<2048x64xf32, #tpu.memory_space<vmem>>, vector<2048x64xf32>
    tpu.vector_store %arg3[%swap3A, %swap3A_15], %div3A_14 {strides = array<i32>} : memref<2048x64xf32, #tpu.memory_space<vmem>>, vector<2048x64xf32>,
    return
  }
  func.func @transform_0(%arg0: i32) -> (i32, i32, i32) {
    %c0_i32 = arith.constant 0 : i32
    %c0_i32_0 = arith.constant 0 : i32
    %c0_i32_1 = arith.constant 0 : i32
    return %c0_i32, %arg0, %c0_i32_0 : i32, i32, i32
  }
  func.func @transform_1(%arg0: i32) -> (i32, i32) {
    %c0_i32 = arith.constant 0 : i32
    %c0_i32_0 = arith.constant 0 : i32
    return %arg0, %c0_i32 : i32, i32
  }
  func.func @transform_2(%arg0: i32) -> (i32, i32) {
    %c0_i32 = arith.constant 0 : i32
    %c0_i32_0 = arith.constant 0 : i32
    return %arg0, %c0_i32 : i32, i32
  }
}

module attributes {stable_mosaic.version = 14 : i64} {
  func.func @_fin_body(%arg0: i32, %arg1: memref<2x1000x64xf32, #tpu.memory_space<vmem>>, %arg2: memref<1000x1xf32, #tpu.memory_space<vmem>>, %arg3: memref<1x64xf32, #tpu.memory_space<vmem>>, %arg4: memref<1000x64xf32, #tpu.memory_space<vmem>>) attributes {dimension_semantics = [#tpu.dimension_semantics<arbitrary>], iteration_bounds = array<i64: 10>, scalar_prefetch = 0 : i64, scratch_operands = 0 : i64, tpu.core_type = #tpu.core_type<tc>, window_params = [{transform_indices = @transform_0, window_bounds = array<i64: 2, 1000, 64>}, {transform_indices = @transform_1, window_bounds = array<i64: 1000, 1>}, {pipeline_mode = #tpu.pipeline_mode<synchronous>, transform_indices = @transform_2, window_bounds = array<i64: 1, 64>}, {transform_indices = @transform_3, window_bounds = array<i64: 1000, 64>}]} {
    %get3A = arith.constant 0 : index
    %get3A_0 = arith.constant 0 : index
    %get3A_1 = arith.constant 0 : index
    %get3A_2 = vector.load %arg1[%get3A, %get3A_0, %get3A_1] : memref<2x1000x64xf32, #tpu.memory_space<vmem>>, vector<1x1000x64xf32>
    %get3A_3 = vector.shape_cast %get3A_2 : vector<1x1000x64xf32> to vector<1000x64xf32>
    %get3A_4 = arith.constant 1 : index
    %get3A_5 = arith.constant 0 : index
    %get3A_6 = arith.constant 0 : index
    %get3A_7 = vector.load %arg1[%get3A_4, %get3A_5, %get3A_6] : memref<2x1000x64xf32, #tpu.memory_space<vmem>>, vector<1x1000x64xf32>
    %get3A_8 = vector.shape_cast %get3A_7 : vector<1x1000x64xf32> to vector<1000x64xf32>
    %add3A = arith.addf %get3A_3, %get3A_8 : vector<1000x64xf32>
    %get3A_9 = arith.constant 0 : index
    %get3A_10 = arith.constant 0 : index
    %get3A_11 = vector.load %arg2[%get3A_9, %get3A_10] : memref<1000x1xf32, #tpu.memory_space<vmem>>, vector<1000x1xf32>
    %max3A = arith.constant 1.000000e+00 : f32
    %max3A_12 = vector.broadcast %max3A : f32 to vector<1000x1xf32>
    %max3A_13 = arith.maximumf %get3A_11, %max3A_12 : vector<1000x1xf32>
    %rsqrt3A = math.rsqrt %max3A_13 : vector<1000x1xf32>
    %mul3A = vector.broadcast %rsqrt3A : vector<1000x1xf32> to vector<1000x64xf32>
    %mul3A_14 = arith.mulf %add3A, %mul3A : vector<1000x64xf32>
    %get3A_15 = arith.constant 0 : index
    %get3A_16 = arith.constant 0 : index
    %get3A_17 = vector.load %arg3[%get3A_15, %get3A_16] : memref<1x64xf32, #tpu.memory_space<vmem>>, vector<1x64xf32>
    %add3A_18 = vector.broadcast %get3A_17 : vector<1x64xf32> to vector<1000x64xf32>
    %add3A_19 = arith.addf %mul3A_14, %add3A_18 : vector<1000x64xf32>
    %swap3A = arith.constant 0 : index
    %swap3A_20 = arith.constant 0 : index
    %swap3A_21 = vector.load %arg4[%swap3A, %swap3A_20] : memref<1000x64xf32, #tpu.memory_space<vmem>>, vector<1000x64xf32>
    tpu.vector_store %arg4[%swap3A, %swap3A_20], %add3A_19 {strides = array<i32>} : memref<1000x64xf32, #tpu.memory_space<vmem>>, vector<1000x64xf32>,
    return
  }
  func.func @transform_0(%arg0: i32) -> (i32, i32, i32) {
    %c0_i32 = arith.constant 0 : i32
    %c0_i32_0 = arith.constant 0 : i32
    %c0_i32_1 = arith.constant 0 : i32
    return %c0_i32, %arg0, %c0_i32_0 : i32, i32, i32
  }
  func.func @transform_1(%arg0: i32) -> (i32, i32) {
    %c0_i32 = arith.constant 0 : i32
    %c0_i32_0 = arith.constant 0 : i32
    return %arg0, %c0_i32 : i32, i32
  }
  func.func @transform_2(%arg0: i32) -> (i32, i32) {
    %c0_i32 = arith.constant 0 : i32
    %c0_i32_0 = arith.constant 0 : i32
    %c0_i32_1 = arith.constant 0 : i32
    return %c0_i32, %c0_i32_0 : i32, i32
  }
  func.func @transform_3(%arg0: i32) -> (i32, i32) {
    %c0_i32 = arith.constant 0 : i32
    %c0_i32_0 = arith.constant 0 : i32
    return %arg0, %c0_i32 : i32, i32
  }
}

</mosaic_0001>

<sc_bundles>
// kernel: kernel.11.cloned.1.call-start
scs
__scs_entry_jumppad:
0x0: {  	(pc) =	sbr.rel $0x88, $3  }
0x1: {  	(tag) =	ssettag $0x0;
	lr =	simm.s32 $0x1  }
0x2: {  	[smem:$0x3F9C] =	sst lr;
	_ =	strace $0xD0000000  }
0x3: {  	_ = 	snop  }
0x4: {  	_ = 	snop  }
0x5: {  	_ = 	snop  }
0x6: {  	_ = 	snop  }
0x7: {  	_ = 	snop  }
__scs_overlays_trampoline_lowered:
0x8: {  	[smem:$0x3FAB] =	sst s0  }
0x9: {  	[smem:$0x3FAC] =	sst s1  }
0xa: {  	[smem:$0x3FAD] =	sst s2  }
0xb: {  	[smem:$0x3FAE] =	sst s3  }
0xc: {  	[smem:$0x3FAF] =	sst s4  }
0xd: {  	[smem:$0x3FB0] =	sst s5  }
0xe: {  	[smem:$0x3FB1] =	sst s6  }
0xf: {  	[smem:$0x3FB2] =	sst s7  }
0x10: {  	[smem:$0x3FB3] =	sst s8  }
0x11: {  	[smem:$0x3FB4] =	sst s9;
	s0 =	simm.s32 @!p0 $0x0  }
0x12: {  	s1 =	sld [smem:$0x3F9A];
	s0 =	simm.s32 @p0 $0x1  }
0x13: {  	[smem:$0x3FB5] =	sst s0;
	s0 =	simm.s32 @!p1 $0x0  }
0x14: {  	s2 =	sld [smem:$0x3F99];
	s0 =	simm.s32 @p1 $0x1  }
0x15: {  	[smem:$0x3FB6] =	sst s0;
	s0 =	simm.s32 @!p2 $0x0  }
0x16: {  	s3 =	sld [smem:$0x3FDB];
	s0 =	simm.s32 @p2 $0x1  }
0x17: {  	s4 =	simm.s32 $0x1BF5;
	[smem:$0x3FB8] =	sst s0  }
0x18: {  	s0 =	sld [smem:$0x3F9B];
	_ =	swait.ge [sflag:s4], $0x0  }
0x19: {  	s7 =	sld [smem:$0x3F9C]  }
0x1a: {  	s8 =	sadd.s32 $0xFFFFE003, lr  }
0x1b: {  	s9 =	sadd.s32 $0xFFFFFEF7, lr;
	s5 =	simm.s32 $0xFFFFFFFF;
	p2 =	slt.u32 s8, $0xFFFFF086  }
0x1c: {  	p1 =	slt.u32 s9, $0xF7A;
	s5 =	simm.s32 @!p2 $0x0  }
0x1d: {  	s5 =	simm.s32 @p1 $0x1;
	p0 =	seq.s32 s7, s2  }
0x1e: {  	s7 =	smul.u32 @!p0 $0xF7A, s2;
	p2 =	seq.s32 @!p0 s5, $0x0  }
0x1f: {  	s9 =	smul.u32 $0xF7A, s1;
	s8 =	simm.s32 @!p0 $0x1BF5;
	p2 =	por !p2, p0  }
0x20: {  	[sflag:s8] =	ssyncset.s32 @!p0 $0xFFFFF086;
	s6 =	sadd.s32 @!p0 s3, s7;
	s7 =	simm.s32 @!p0 $0x108  }
0x21: {  	s3 =	sadd.s32 s3, s9;
	s6 =	sadd.s32 @!p0 $0x88, s6;
	s7 =	simm.s32 @p2 $0x1082  }
0x22: {  	[simem:s7], [sflag:s8] =	dma.local @!p0 [hbm:s6], $0xF7A  }
0x23: {  	s9 =	sor.u32 $0xD0000000, s2;
	s6 =	simm.s32 $0x108;
	_ =	swait.ge @!p0 [sflag:s8], $0x0  }
0x24: {  	s3 =	sadd.s32 $0x88, s3;
	s6 =	simm.s32 @!p1 $0x1082;
	[sflag:s4] =	ssyncset.s32 $0xFFFFF086  }
0x25: {  	[simem:s6], [sflag:s4] =	dma.local [hbm:s3], $0xF7A  }
0x26: {  	[smem:$0x3F9C] =	sst s1;
	(tag) =	ssettag s2;
	_ =	strace s9  }
0x27: {  	s1 =	sld [smem:$0x3FAC]  }
0x28: {  	s2 =	sld [smem:$0x3FAD]  }
0x29: {  	s4 =	sld [smem:$0x3FAF]  }
0x2a: {  	p0 =	seq.s32 s5, $0x0;
	s5 =	sld [smem:$0x3FB0]  }
0x2b: {  	s6 =	sld [smem:$0x3FB1]  }
0x2c: {  	s7 =	sld [smem:$0x3FB2]  }
0x2d: {  	s3 =	simm.s32 $0x108;
	s8 =	sld [smem:$0x3FB3]  }
0x2e: {  	s3 =	simm.s32 @!p0 $0x1082;
	s9 =	sld [smem:$0x3FB4]  }
0x2f: {  	lr =	sadd.s32 s0, s3;
	s0 =	sld [smem:$0x3FAB]  }
0x30: {  	s3 =	sld [smem:$0x3FAE]  }
0x31: {  	[smem:$0x3FB7] =	sst s10  }
0x32: {  	s10 =	sld [smem:$0x3FB5];
	_ =	sdelay $0x3  }
0x33: {  	p0 =	seq.s32 s10, $0x1;
	s10 =	sld [smem:$0x3FB7];
	_ =	sdelay $0x3  }
0x34: {  	[smem:$0x3FB7] =	sst s10  }
0x35: {  	s10 =	sld [smem:$0x3FB6];
	_ =	sdelay $0x3  }
0x36: {  	p1 =	seq.s32 s10, $0x1;
	s10 =	sld [smem:$0x3FB7];
	_ =	sdelay $0x3  }
0x37: {  	[smem:$0x3FB7] =	sst s10  }
0x38: {  	s10 =	sld [smem:$0x3FB8]  }
0x39: {  	_ = 	snop;
	(pc) =	sbr.ind lr, $3  }
0x3a: {  	_ = 	snop  }
0x3b: {  	_ = 	snop  }
0x3c: {  	p2 =	seq.s32 s10, $0x1;
	s10 =	sld [smem:$0x3FB7]  }
0x3d: {  	_ =	shalt  }
0x3e: {  	_ =	shalt  }
0x3f: {  	_ =	shalt  }
0x40: {  	_ =	shalt  }
0x41: {  	_ =	shalt  }
0x42: {  	_ =	shalt  }
0x43: {  	_ =	shalt  }
0x44: {  	_ =	shalt  }
0x45: {  	_ =	shalt  }
0x46: {  	_ =	shalt  }
0x47: {  	_ =	shalt  }
0x48: {  	_ =	shalt  }
0x49: {  	_ =	shalt  }
0x4a: {  	_ =	shalt  }
0x4b: {  	_ =	shalt  }
0x4c: {  	_ =	shalt  }
0x4d: {  	_ =	shalt  }
0x4e: {  	_ =	shalt  }
0x4f: {  	_ =	shalt  }
0x50: {  	_ =	shalt  }
0x51: {  	_ =	shalt  }
0x52: {  	_ =	shalt  }
0x53: {  	_ =	shalt  }
0x54: {  	_ =	shalt  }
0x55: {  	_ =	shalt  }
0x56: {  	_ =	shalt  }
0x57: {  	_ =	shalt  }
0x58: {  	_ =	shalt  }
0x59: {  	_ =	shalt  }
0x5a: {  	_ =	shalt  }
0x5b: {  	_ =	shalt  }
0x5c: {  	_ =	shalt  }
0x5d: {  	_ =	shalt  }
0x5e: {  	_ =	shalt  }
0x5f: {  	_ =	shalt  }
0x60: {  	_ =	shalt  }
0x61: {  	_ =	shalt  }
0x62: {  	_ =	shalt  }
0x63: {  	_ =	shalt  }
0x64: {  	_ =	shalt  }
0x65: {  	_ =	shalt  }
0x66: {  	_ =	shalt  }
0x67: {  	_ =	shalt  }
0x68: {  	_ =	shalt  }
0x69: {  	_ =	shalt  }
0x6a: {  	_ =	shalt  }
0x6b: {  	_ =	shalt  }
0x6c: {  	_ =	shalt  }
0x6d: {  	_ =	shalt  }
0x6e: {  	_ =	shalt  }
0x6f: {  	_ =	shalt  }
0x70: {  	_ =	shalt  }
0x71: {  	_ =	shalt  }
0x72: {  	_ =	shalt  }
0x73: {  	_ =	shalt  }
0x74: {  	_ =	shalt  }
0x75: {  	_ =	shalt  }
0x76: {  	_ =	shalt  }
0x77: {  	_ =	shalt  }
0x78: {  	_ =	shalt  }
0x79: {  	_ =	shalt  }
0x7a: {  	_ =	shalt  }
0x7b: {  	_ =	shalt  }
0x7c: {  	_ =	shalt  }
0x7d: {  	_ =	shalt  }
0x7e: {  	_ =	shalt  }
0x7f: {  	_ =	shalt  }
0x80: {  	_ =	shalt  }
0x81: {  	_ =	shalt  }
0x82: {  	_ =	shalt  }
0x83: {  	_ =	shalt  }
0x84: {  	_ =	shalt  }
0x85: {  	_ =	shalt  }
0x86: {  	_ =	shalt  }
0x87: {  	_ =	shalt  }
.Lfunc_end0:
.L_simem_size_0:
called_computation.1_lowered:
.L_overlay_start_0:
0x88: {  	s2 =	sld [smem:$0x3FD9]  }
0x89: {  	s3 =	sld [smem:$0x3FFE];
	_ =	sdelay $0x1  }
0x8a: {  	s1 =	srdreg.scid  }
0x8b: {  	s0 =	sand.u32 $0x1, s1  }
0x8c: {  	s17 =	sshll.u32 s0, $0xA;
	s2 =	sadd.s32 s3, s2  }
0x8d: {  	s2 =	sadd.s32 s2, s17  }
0x8e: {  	[smem:$0x3FC3] =	sst s2  }
0x8f: {  	_ = 	snop  }
0x90: {  	s2 =	sld [smem:$0x3FD0];
	(tm) =	ssettm $0x1  }
0x91: {  	s18 =	sld [smem:$0x3FFB];
	_ =	sdelay $0x3  }
0x92: {  	_ =	strace s18  }
0x93: {  	s3 =	sld [smem:$0x3FFC];
	_ =	sdelay $0x3  }
0x94: {  	_ =	strace s3  }
0x95: {  	s3 =	sld [smem:$0x3FFD];
	_ =	sdelay $0x3  }
0x96: {  	_ =	strace s3  }
0x97: {  	_ =	strace $0x8FFFFFFF  }
0x98: {  	s19 =	sld [smem:$0x3FDB];
	_ =	sdelay $0x1  }
0x99: {  	s4 =	simm.s32 $_scs_section_size  }
0x9a: {  	s5 =	simm.s32 $_size__tile_overlayer_lowered;
	s6 =	simm.s32 $_tile_overlayer_lowered  }
0x9b: {  	s22 =	simm.s32 $0x1BFF;
	s21 =	sshll.u32 s6, $0x1;
	s3 =	sadd.s32 s4, s19  }
0x9c: {  	s7 =	simm.s32 $0x0;
	s20 =	sshll.u32 s5, $0x1;
	s5 =	sadd.s32 s21, s3  }
0x9d: {  	[timem:s7], [sflag:s22] =	dma.local [hbm:s5], s20  }
0x9e: {  	_ =	swait.ge [sflag:s22], s20  }
0x9f: {  	s4 =	ssub.s32 $0x0, s20;
	[sflag:s22] =	ssyncset.done $0x0  }
0xa0: {  	[sflag:s22] =	ssyncadd.s32 s4;
	_ =	sdelay $0x1  }
0xa1: {  	s23 =	simm.s32 $0x1B8B  }
0xa2: {  	_ =	swait.ge [sflag:s23], $0x1  }
0xa3: {  	[sflag:s23] =	ssyncset.done $0x0  }
0xa4: {  	s25 =	simm.s32 $0x1B8E;
	s24 =	sld [smem:$0x3FFE];
	[sflag:s23] =	ssyncadd.s32 $0xFFFFFFFF  }
0xa5: {  	s26 =	simm.s32 $execute0_lowered;
	[smem:$0x3FD2] =	sst s25  }
0xa6: {  	s5 =	sshll.u32 s26, $0x1;
	_ =	strace $0x80000049;
	[dreg:$0x1] =	wrdreg $0xFFFFFFFF  }
0xa7: {  	s28 =	simm.s32 $_size_execute0_lowered;
	s3 =	sadd.s32 s3, s5;
	[dreg:$0x0] =	wrdreg $0x0  }
0xa8: {  	s5 =	sshll.u32 s28, $0x1;
	[dreg:$0x2] =	wrdreg s3  }
0xa9: {  	[dreg:$0x3] =	wrdreg s5  }
0xaa: {  	[dreg:$0x4] =	wrdreg $0xC0  }
0xab: {  	_ =	task [dreg:s7], $0x5FFFF  }
0xac: {  	[dreg:$0x1] =	wrdreg $0xFFFFFFFF  }
0xad: {  	[dreg:$0x0] =	wrdreg $0x60  }
0xae: {  	[dreg:$0x2] =	wrdreg s24  }
0xaf: {  	[dreg:$0x3] =	wrdreg s2  }
0xb0: {  	[dreg:$0x4] =	wrdreg $0x150000  }
0xb1: {  	[dreg:$0x5] =	wrdreg $0x9  }
0xb2: {  	_ =	task.clear_ibuf [dreg:s7], $0x6FFFF;
	_ =	strace $0x90000049  }
0xb3: {  	s29 =	simm.s32 $0x9;
	_ =	strace $0x8000004B  }
0xb4: {  	_ =	swait.ge [sflag:s29], $0x1  }
0xb5: {  	[sflag:s29] =	ssyncadd.s32 $0xFFFFFFFF  }
0xb6: {  	_ =	strace $0x9000004B  }
0xb7: {  	_ =	sfence  }
0xb8: {  	s30 =	sld [smem:$0x0];
	_ =	sdelay $0x2  }
0xb9: {  	s31 =	sshll.u32 s1, $0xD;
	s1 =	sshrl.u32 s1, $0x2  }
0xba: {  	s3 =	sand.u32 $0x4000, s31;
	s1 =	sadd.s32 s1, s30  }
0xbb: {  	s0 =	sor.u32 s3, s0;
	s1 =	sshll.u32 s1, $0x11  }
0xbc: {  	s0 =	sor.u32 s1, s0  }
0xbd: {  	s0 =	sadd.s32 $0x8F2B, s0  }
0xbe: {  	[sflag:s0] =	ssyncadd.remote.s32 $0x1  }
0xbf: {  	_ =	sfence.sel $0xFFFF  }
0xc0: {  	[dreg:$0x0] =	wrdreg $0xFFFFFFFF;
	(pc) =	sbr.abs _section_cstart, $3  }
0xc1: {  	[dreg:$0x1] =	wrdreg $0xFFFFFFFF  }
0xc2: {  	_ =	task.clear_ibuf [dreg:s7], $0x2FFFF;
	_ =	strace $0x9FFFFFFF  }
0xc3: {  	(tm) =	ssettm $0x7FFFFFFF  }
tec
execute0_lowered:
.L_overlay_start_1:
0x0: {  	(tag) =	ssettag $0x1  }
0x1: {  	s0 =	srdreg.scid  }
0x2: {  	s1 =	rddreg [dreg:$0x0];
	s12 =	stileid.u32  }
0x3: {  	s7 =	rddreg [dreg:$0x1];
	s14 =	simm.s32 $0x100;
	s15 =	simm.s32 $0x5000  }
0x4: {  	s16 =	simm.s32 $0x9000;
	s18 =	simm.s32 $0xD000;
	s20 =	simm.s32 $0x11000  }
0x5: {  	s21 =	simm.s32 $0x1;
	s22 =	simm.s32 $0x2;
	s23 =	simm.s32 $0x3  }
0x6: {  	s24 =	simm.s32 $0x4;
	s25 =	simm.s32 $0x5;
	s28 =	simm.s32 $0x7  }
0x7: {  	s29 =	simm.s32 $0x8;
	s31 =	simm.s32 $0x4D00;
	s13 =	simm.s32 $0x0  }
0x8: {  	s0 =	sand.u32 $0x1, s0;
	s5 =	smul.u32 $0xA000, s12;
	s4 =	sadd.s32 $0x1F600, s1  }
0x9: {  	s26 =	sshll.u32 s12, $0x6;
	s2 =	sshll.u32 s0, $0x4;
	s6 =	smul.u32 $0xA0000, s0  }
0xa: {  	s0 =	ssub.s32 $0x2, s0;
	s3 =	sor.u32 s12, s2;
	s2 =	rddreg [dreg:$0x2]  }
0xb: {  	s10 =	sshrl.u32 s5, $0x3;
	s11 =	sshrl.u32 s0, $0x1;
	s12 =	simm.s32 $0x9  }
0xc: {  	s8 =	smul.u32 $0x500, s3;
	s3 =	simm.s32 $0x0;
	s6 =	sadd.s32 s5, s6  }
0xd: {  	s10 =	sadd.s32 s10, s1;
	s0 =	ssub.s32 s0, s11;
	s30 =	sadd.s32 s5, s2  }
0xe: {  	[smem:$0x7FF] =	sst s3;
	s6 =	sshrl.u32 s6, $0x3;
	s5 =	sadd.s32 $0x33600, s10  }
0xf: {  	s10 =	smax.u32 s0, $0x1;
	s11 =	sshrl.u32 s30, $0x3;
	s0 =	simm.s32 $0x4F00  }
0x10: {  	_ =	strace $0x8000004A;
	s9 =	sadd.s32 s8, s1;
	s1 =	sadd.s32 s6, s1  }
0x11: {  	s6 =	sor.u32 $0x1C09, s26;
	s7 =	sadd.s32 s7, s8;
	s26 =	simm.s32 $0x6  }
0x12: {  	s8 =	sadd.s32 $0x15600, s9;
	s9 =	sadd.s32 $0x47600, s1;
	s1 =	simm.s32 $0x4E00  }
.LBB2_1:
0x13: {  	[spmem:s11], [sflag:s6] =	dma.local [hbm:s5], $0x1400  }
0x14: {  	_ =	swait.ge [sflag:s12], $0x1400  }
0x15: {  	[sflag:s12] =	ssyncset.done $0x0  }
0x16: {  	[sflag:s12] =	ssyncadd.s32 $0xFFFFEC00  }
0x17: {  	[tilespmem:s3], [sflag:$0x9] =	stream.linear.gather [hbm4b:s7+s3], $0x2800, $0x38;
	[tilespmem:$0x1F000] =	vst v63  }
0x18: {  	_ =	swait.ge [sflag:s12], $0x2800  }
0x19: {  	[sflag:s12] =	ssyncset.done $0x0  }
0x1a: {  	s17 =	simm.s32 $0x2800;
	[sflag:s12] =	ssyncadd.s32 $0xFFFFD800  }
0x1b: {  	[tilespmem:s17], [sflag:$0x9] =	stream.linear.gather [hbm4b:s8+s3], $0x2800, $0x38;
	[tilespmem:$0x1F000] =	vst v63  }
0x1c: {  	_ =	swait.ge [sflag:s12], $0x2800  }
0x1d: {  	[sflag:s12] =	ssyncset.done $0x0  }
0x1e: {  	[sflag:s12] =	ssyncadd.s32 $0xFFFFD800  }
0x1f: {  	[bflag:$0x0] =	sbarrier.arrive $0xFFFF  }
0x20: {  	[tilespmem:s15], [sflag:$0x1] =	stream.indirect.gather [hbm4b:s4+s14], $0x40, s3, s14, $0xb8;
	[tilespmem:$0x1F000] =	vst v63  }
0x21: {  	_ = 	snop  }
0x22: {  	[tilespmem:s16], [sflag:$0x2] =	stream.indirect.gather [hbm4b:s4+s14], $0x40, s14, s14, $0xb8;
	[tilespmem:$0x1F000] =	vst v63  }
0x23: {  	s30 =	simm.s32 $0x200  }
0x24: {  	[tilespmem:s18], [sflag:$0x3] =	stream.indirect.gather [hbm4b:s4+s14], $0x40, s30, s14, $0xb8;
	[tilespmem:$0x1F000] =	vst v63  }
0x25: {  	s19 =	simm.s32 $0x300  }
0x26: {  	[tilespmem:s20], [sflag:$0x4] =	stream.indirect.gather [hbm4b:s4+s14], $0x40, s19, s14, $0xb8;
	[tilespmem:$0x1F000] =	vst v63  }
0x27: {  	_ =	swait.ge [sflag:s21], $0x4000  }
0x28: {  	[sflag:s21] =	ssyncset.done $0x0  }
0x29: {  	s30 =	simm.s32 $0x2800;
	[sflag:s21] =	ssyncadd.s32 $0xFFFFC000  }
0x2a: {  	[spmem:s2] =	stream.indirect.scatter.add.f32 [tilespmem:s15], [sflag:$0x5], $0x40, s30, s14, $0xb8;
	[tilespmem:$0x1F000] =	vst v63  }
0x2b: {  	_ =	swait.ge [sflag:s22], $0x4000  }
0x2c: {  	[sflag:s22] =	ssyncset.done $0x0  }
0x2d: {  	s19 =	simm.s32 $0x2900;
	[sflag:s22] =	ssyncadd.s32 $0xFFFFC000  }
0x2e: {  	[spmem:s2] =	stream.indirect.scatter.add.f32 [tilespmem:s16], [sflag:$0x6], $0x40, s19, s14, $0xb8;
	[tilespmem:$0x1F000] =	vst v63  }
0x2f: {  	_ =	swait.ge [sflag:s23], $0x4000  }
0x30: {  	[sflag:s23] =	ssyncset.done $0x0  }
0x31: {  	s30 =	simm.s32 $0x2A00;
	[sflag:s23] =	ssyncadd.s32 $0xFFFFC000  }
0x32: {  	[spmem:s2] =	stream.indirect.scatter.add.f32 [tilespmem:s18], [sflag:$0x7], $0x40, s30, s14, $0xb8;
	[tilespmem:$0x1F000] =	vst v63  }
0x33: {  	_ =	swait.ge [sflag:s24], $0x4000  }
0x34: {  	[sflag:s24] =	ssyncset.done $0x0  }
0x35: {  	s19 =	simm.s32 $0x2B00;
	[sflag:s24] =	ssyncadd.s32 $0xFFFFC000  }
0x36: {  	[spmem:s2] =	stream.indirect.scatter.add.f32 [tilespmem:s20], [sflag:$0x8], $0x40, s19, s14, $0xb8;
	[tilespmem:$0x1F000] =	vst v63  }
0x37: {  	_ =	swait.ge [sflag:s25], $0x4000  }
0x38: {  	[sflag:s25] =	ssyncset.done $0x0  }
0x39: {  	s30 =	simm.s32 $0x400;
	[sflag:s25] =	ssyncadd.s32 $0xFFFFC000  }
0x3a: {  	[tilespmem:s15], [sflag:$0x1] =	stream.indirect.gather [hbm4b:s4+s14], $0x40, s30, s14, $0xb8;
	[tilespmem:$0x1F000] =	vst v63  }
0x3b: {  	_ =	swait.ge [sflag:s26], $0x4000  }
0x3c: {  	[sflag:s26] =	ssyncset.done $0x0  }
0x3d: {  	s19 =	simm.s32 $0x500;
	[sflag:s26] =	ssyncadd.s32 $0xFFFFC000  }
0x3e: {  	[tilespmem:s16], [sflag:$0x2] =	stream.indirect.gather [hbm4b:s4+s14], $0x40, s19, s14, $0xb8;
	[tilespmem:$0x1F000] =	vst v63  }
0x3f: {  	_ =	swait.ge [sflag:s28], $0x4000  }
0x40: {  	[sflag:s28] =	ssyncset.done $0x0  }
0x41: {  	s30 =	simm.s32 $0x600;
	[sflag:s28] =	ssyncadd.s32 $0xFFFFC000  }
0x42: {  	[tilespmem:s18], [sflag:$0x3] =	stream.indirect.gather [hbm4b:s4+s14], $0x40, s30, s14, $0xb8;
	[tilespmem:$0x1F000] =	vst v63  }
0x43: {  	_ =	swait.ge [sflag:s29], $0x4000  }
0x44: {  	[sflag:s29] =	ssyncset.done $0x0  }
0x45: {  	s17 =	simm.s32 $0x1000;
	s19 =	simm.s32 $0x700;
	[sflag:s29] =	ssyncadd.s32 $0xFFFFC000  }
.LBB2_2:
0x46: {  	[tilespmem:s20], [sflag:$0x4] =	stream.indirect.gather [hbm4b:s4+s14], $0x40, s19, s14, $0xb8;
	[tilespmem:$0x1F000] =	vst v63  }
0x47: {  	s19 =	smov.u32 s17  }
0x48: {  	p0 =	sne.s32 s17, $0x8000;
	s17 =	sadd.s32 $0x1000, s17;
	_ =	swait.ge [sflag:s21], $0x4000  }
0x49: {  	s19 =	sshra.s32 s19, $0x2;
	[sflag:s21] =	ssyncset.done $0x0  }
0x4a: {  	s30 =	sadd.s32 $0x2800, s19;
	[sflag:s21] =	ssyncadd.s32 $0xFFFFC000  }
0x4b: {  	[spmem:s2] =	stream.indirect.scatter.add.f32 [tilespmem:s15], [sflag:$0x5], $0x40, s30, s14, $0xb8;
	[tilespmem:$0x1F000] =	vst v63  }
0x4c: {  	_ =	swait.ge [sflag:s22], $0x4000  }
0x4d: {  	[sflag:s22] =	ssyncset.done $0x0  }
0x4e: {  	s30 =	sadd.s32 $0x2900, s19;
	[sflag:s22] =	ssyncadd.s32 $0xFFFFC000  }
0x4f: {  	[spmem:s2] =	stream.indirect.scatter.add.f32 [tilespmem:s16], [sflag:$0x6], $0x40, s30, s14, $0xb8;
	[tilespmem:$0x1F000] =	vst v63  }
0x50: {  	_ =	swait.ge [sflag:s23], $0x4000  }
0x51: {  	[sflag:s23] =	ssyncset.done $0x0  }
0x52: {  	s30 =	sadd.s32 $0x2A00, s19;
	[sflag:s23] =	ssyncadd.s32 $0xFFFFC000  }
0x53: {  	[spmem:s2] =	stream.indirect.scatter.add.f32 [tilespmem:s18], [sflag:$0x7], $0x40, s30, s14, $0xb8;
	[tilespmem:$0x1F000] =	vst v63  }
0x54: {  	_ =	swait.ge [sflag:s24], $0x4000  }
0x55: {  	[sflag:s24] =	ssyncset.done $0x0  }
0x56: {  	s30 =	sadd.s32 $0x2B00, s19;
	[sflag:s24] =	ssyncadd.s32 $0xFFFFC000  }
0x57: {  	[spmem:s2] =	stream.indirect.scatter.add.f32 [tilespmem:s20], [sflag:$0x8], $0x40, s30, s14, $0xb8;
	[tilespmem:$0x1F000] =	vst v63  }
0x58: {  	_ =	swait.ge [sflag:s25], $0x4000  }
0x59: {  	[sflag:s25] =	ssyncset.done $0x0  }
0x5a: {  	s30 =	sadd.s32 $0x400, s19;
	[sflag:s25] =	ssyncadd.s32 $0xFFFFC000  }
0x5b: {  	[tilespmem:s15], [sflag:$0x1] =	stream.indirect.gather [hbm4b:s4+s14], $0x40, s30, s14, $0xb8;
	[tilespmem:$0x1F000] =	vst v63  }
0x5c: {  	_ =	swait.ge [sflag:s26], $0x4000  }
0x5d: {  	[sflag:s26] =	ssyncset.done $0x0  }
0x5e: {  	s30 =	sadd.s32 $0x500, s19;
	[sflag:s26] =	ssyncadd.s32 $0xFFFFC000  }
0x5f: {  	[tilespmem:s16], [sflag:$0x2] =	stream.indirect.gather [hbm4b:s4+s14], $0x40, s30, s14, $0xb8;
	[tilespmem:$0x1F000] =	vst v63  }
0x60: {  	_ =	swait.ge [sflag:s28], $0x4000  }
0x61: {  	[sflag:s28] =	ssyncset.done $0x0  }
.Ltmp0:
0x62: {  	s30 =	sadd.s32 $0x600, s19;
	[sflag:s28] =	ssyncadd.s32 $0xFFFFC000;
	(pc) =	sbr.rel @p0 .LBB2_2-.Ltmp0, $4  }
0x63: {  	[tilespmem:s18], [sflag:$0x3] =	stream.indirect.gather [hbm4b:s4+s14], $0x40, s30, s14, $0xb8;
	[tilespmem:$0x1F000] =	vst v63  }
0x64: {  	_ =	swait.ge [sflag:s29], $0x4000  }
0x65: {  	[sflag:s29] =	ssyncset.done $0x0  }
0x66: {  	s19 =	sadd.s32 $0x700, s19;
	[sflag:s29] =	ssyncadd.s32 $0xFFFFC000  }
0x67: {  	[tilespmem:s20], [sflag:$0x4] =	stream.indirect.gather [hbm4b:s4+s14], $0x40, s19, s14, $0xb8;
	[tilespmem:$0x1F000] =	vst v63  }
0x68: {  	_ =	swait.ge [sflag:s21], $0x4000  }
0x69: {  	[sflag:s21] =	ssyncset.done $0x0  }
0x6a: {  	s17 =	simm.s32 $0x4C00;
	[sflag:s21] =	ssyncadd.s32 $0xFFFFC000  }
0x6b: {  	[spmem:s2] =	stream.indirect.scatter.add.f32 [tilespmem:s15], [sflag:$0x5], $0x40, s17, s14, $0xb8;
	[tilespmem:$0x1F000] =	vst v63  }
0x6c: {  	_ =	swait.ge [sflag:s22], $0x4000  }
0x6d: {  	[sflag:s22] =	ssyncset.done $0x0  }
0x6e: {  	[sflag:s22] =	ssyncadd.s32 $0xFFFFC000  }
0x6f: {  	[spmem:s2] =	stream.indirect.scatter.add.f32 [tilespmem:s16], [sflag:$0x6], $0x40, s31, s14, $0xb8;
	[tilespmem:$0x1F000] =	vst v63  }
0x70: {  	_ =	swait.ge [sflag:s23], $0x4000  }
0x71: {  	[sflag:s23] =	ssyncset.done $0x0  }
0x72: {  	[sflag:s23] =	ssyncadd.s32 $0xFFFFC000  }
0x73: {  	[spmem:s2] =	stream.indirect.scatter.add.f32 [tilespmem:s18], [sflag:$0x7], $0x40, s1, s14, $0xb8;
	[tilespmem:$0x1F000] =	vst v63  }
0x74: {  	_ =	swait.ge [sflag:s24], $0x4000  }
0x75: {  	[sflag:s24] =	ssyncset.done $0x0  }
0x76: {  	[sflag:s24] =	ssyncadd.s32 $0xFFFFC000  }
0x77: {  	[spmem:s2] =	stream.indirect.scatter.add.f32 [tilespmem:s20], [sflag:$0x8], $0x40, s0, s14, $0xb8;
	[tilespmem:$0x1F000] =	vst v63  }
0x78: {  	_ =	swait.ge [sflag:s25], $0x4000  }
0x79: {  	[sflag:s25] =	ssyncset.done $0x0  }
0x7a: {  	[sflag:s25] =	ssyncadd.s32 $0xFFFFC000  }
0x7b: {  	_ =	swait.ge [sflag:s26], $0x4000  }
0x7c: {  	[sflag:s26] =	ssyncset.done $0x0  }
0x7d: {  	[sflag:s26] =	ssyncadd.s32 $0xFFFFC000  }
0x7e: {  	_ =	swait.ge [sflag:s28], $0x4000  }
0x7f: {  	[sflag:s28] =	ssyncset.done $0x0  }
0x80: {  	[sflag:s28] =	ssyncadd.s32 $0xFFFFC000  }
0x81: {  	_ =	swait.ge [sflag:s29], $0x4000  }
0x82: {  	s13 =	sadd.s32 $0x1, s13;
	[sflag:s29] =	ssyncset.done $0x0  }
0x83: {  	p0 =	sne.s32 s13, s10;
	[sflag:s29] =	ssyncadd.s32 $0xFFFFC000  }
.Ltmp1:
0x84: {  	[bflag:$0x0] =	sbarrier.arrive $0xFFFF;
	(pc) =	sbr.rel @p0 .LBB2_1-.Ltmp1, $4  }
0x85: {  	[hbm:s9], [sflag:s6] =	dma.local [spmem:s11], $0x1400  }
0x86: {  	_ =	swait.ge [sflag:s12], $0x1400  }
0x87: {  	[sflag:s12] =	ssyncset.done $0x0  }
0x88: {  	[sflag:s12] =	ssyncadd.s32 $0xFFFFEC00  }
0x89: {  	_ =	sfence.sel $0x180000  }
0x8a: {  	[bflag:$0x0] =	sbarrier.arrive $0xFFFF  }
0x8b: {  	_ =	strace $0x9000004A  }
0x8c: {  	s0 =	stileid.u32;
	[bflag:$0x2] =	sbarrier.arrive $0xFFFF  }
0x8d: {  	p0 =	sne.s32 s0, $0x0;
	s0 =	rddreg [dreg:$0x3]  }
0x8e: {  	s0 =	sadd.s32 @!p0 $0x100000, s0  }
0x8f: {  	[sflag:s0] =	ssyncadd.tile.s32 @!p0 $0x1;
	_ =	shalt  }
.Lfunc_end2:
_tile_overlayer_lowered:
.L_overlay_start_2:
0x90: {  	(tag) =	ssettag $0x2  }
0x91: {  	s0 =	rddreg [dreg:$0x0];
	s2 =	stileid.u32  }
0x92: {  	s1 =	rddreg [dreg:$0x1];
	p0 =	sne.s32 s2, $0x0  }
0x93: {  	s3 =	rddreg [dreg:$0x2];
	[bflag:$0x3] =	sbarrier.arrive $0xFFFF;
	s2 =	simm.s32 @!p0 $0x1C09  }
0x94: {  	[timem:s3], [sflag:s2] =	dma.local @!p0 [hbm:s0], s1  }
0x95: {  	s0 =	simm.s32 @!p0 $0x9  }
0x96: {  	_ =	swait.ge @!p0 [sflag:s0], s1  }
0x97: {  	s1 =	ssub.s32 @!p0 $0x0, s1;
	[sflag:s0] =	ssyncset.done @!p0 $0x0  }
0x98: {  	[sflag:s0] =	ssyncadd.s32 @!p0 s1  }
0x99: {  	[bflag:$0x3] =	sbarrier.arrive $0xFFFF  }
0x9a: {  	_ =	shalt  }

// kernel: kernel.14.cloned.1.call-start
scs
__scs_entry_jumppad:
0x0: {  	(pc) =	sbr.rel $0x88, $3  }
0x1: {  	(tag) =	ssettag $0x0;
	lr =	simm.s32 $0x1  }
0x2: {  	[smem:$0x3F9C] =	sst lr;
	_ =	strace $0xD0000000  }
0x3: {  	_ = 	snop  }
0x4: {  	_ = 	snop  }
0x5: {  	_ = 	snop  }
0x6: {  	_ = 	snop  }
0x7: {  	_ = 	snop  }
__scs_overlays_trampoline_lowered:
0x8: {  	[smem:$0x3FAB] =	sst s0  }
0x9: {  	[smem:$0x3FAC] =	sst s1  }
0xa: {  	[smem:$0x3FAD] =	sst s2  }
0xb: {  	[smem:$0x3FAE] =	sst s3  }
0xc: {  	[smem:$0x3FAF] =	sst s4  }
0xd: {  	[smem:$0x3FB0] =	sst s5  }
0xe: {  	[smem:$0x3FB1] =	sst s6  }
0xf: {  	[smem:$0x3FB2] =	sst s7  }
0x10: {  	[smem:$0x3FB3] =	sst s8  }
0x11: {  	[smem:$0x3FB4] =	sst s9;
	s0 =	simm.s32 @!p0 $0x0  }
0x12: {  	s1 =	sld [smem:$0x3F9A];
	s0 =	simm.s32 @p0 $0x1  }
0x13: {  	[smem:$0x3FB5] =	sst s0;
	s0 =	simm.s32 @!p1 $0x0  }
0x14: {  	s2 =	sld [smem:$0x3F99];
	s0 =	simm.s32 @p1 $0x1  }
0x15: {  	[smem:$0x3FB6] =	sst s0;
	s0 =	simm.s32 @!p2 $0x0  }
0x16: {  	s3 =	sld [smem:$0x3FDB];
	s0 =	simm.s32 @p2 $0x1  }
0x17: {  	s4 =	simm.s32 $0x1BF5;
	[smem:$0x3FB8] =	sst s0  }
0x18: {  	s0 =	sld [smem:$0x3F9B];
	_ =	swait.ge [sflag:s4], $0x0  }
0x19: {  	s7 =	sld [smem:$0x3F9C]  }
0x1a: {  	s8 =	sadd.s32 $0xFFFFE003, lr  }
0x1b: {  	s9 =	sadd.s32 $0xFFFFFEF7, lr;
	s5 =	simm.s32 $0xFFFFFFFF;
	p2 =	slt.u32 s8, $0xFFFFF086  }
0x1c: {  	p1 =	slt.u32 s9, $0xF7A;
	s5 =	simm.s32 @!p2 $0x0  }
0x1d: {  	s5 =	simm.s32 @p1 $0x1;
	p0 =	seq.s32 s7, s2  }
0x1e: {  	s7 =	smul.u32 @!p0 $0xF7A, s2;
	p2 =	seq.s32 @!p0 s5, $0x0  }
0x1f: {  	s9 =	smul.u32 $0xF7A, s1;
	s8 =	simm.s32 @!p0 $0x1BF5;
	p2 =	por !p2, p0  }
0x20: {  	[sflag:s8] =	ssyncset.s32 @!p0 $0xFFFFF086;
	s6 =	sadd.s32 @!p0 s3, s7;
	s7 =	simm.s32 @!p0 $0x108  }
0x21: {  	s3 =	sadd.s32 s3, s9;
	s6 =	sadd.s32 @!p0 $0x88, s6;
	s7 =	simm.s32 @p2 $0x1082  }
0x22: {  	[simem:s7], [sflag:s8] =	dma.local @!p0 [hbm:s6], $0xF7A  }
0x23: {  	s9 =	sor.u32 $0xD0000000, s2;
	s6 =	simm.s32 $0x108;
	_ =	swait.ge @!p0 [sflag:s8], $0x0  }
0x24: {  	s3 =	sadd.s32 $0x88, s3;
	s6 =	simm.s32 @!p1 $0x1082;
	[sflag:s4] =	ssyncset.s32 $0xFFFFF086  }
0x25: {  	[simem:s6], [sflag:s4] =	dma.local [hbm:s3], $0xF7A  }
0x26: {  	[smem:$0x3F9C] =	sst s1;
	(tag) =	ssettag s2;
	_ =	strace s9  }
0x27: {  	s1 =	sld [smem:$0x3FAC]  }
0x28: {  	s2 =	sld [smem:$0x3FAD]  }
0x29: {  	s4 =	sld [smem:$0x3FAF]  }
0x2a: {  	p0 =	seq.s32 s5, $0x0;
	s5 =	sld [smem:$0x3FB0]  }
0x2b: {  	s6 =	sld [smem:$0x3FB1]  }
0x2c: {  	s7 =	sld [smem:$0x3FB2]  }
0x2d: {  	s3 =	simm.s32 $0x108;
	s8 =	sld [smem:$0x3FB3]  }
0x2e: {  	s3 =	simm.s32 @!p0 $0x1082;
	s9 =	sld [smem:$0x3FB4]  }
0x2f: {  	lr =	sadd.s32 s0, s3;
	s0 =	sld [smem:$0x3FAB]  }
0x30: {  	s3 =	sld [smem:$0x3FAE]  }
0x31: {  	[smem:$0x3FB7] =	sst s10  }
0x32: {  	s10 =	sld [smem:$0x3FB5];
	_ =	sdelay $0x3  }
0x33: {  	p0 =	seq.s32 s10, $0x1;
	s10 =	sld [smem:$0x3FB7];
	_ =	sdelay $0x3  }
0x34: {  	[smem:$0x3FB7] =	sst s10  }
0x35: {  	s10 =	sld [smem:$0x3FB6];
	_ =	sdelay $0x3  }
0x36: {  	p1 =	seq.s32 s10, $0x1;
	s10 =	sld [smem:$0x3FB7];
	_ =	sdelay $0x3  }
0x37: {  	[smem:$0x3FB7] =	sst s10  }
0x38: {  	s10 =	sld [smem:$0x3FB8]  }
0x39: {  	_ = 	snop;
	(pc) =	sbr.ind lr, $3  }
0x3a: {  	_ = 	snop  }
0x3b: {  	_ = 	snop  }
0x3c: {  	p2 =	seq.s32 s10, $0x1;
	s10 =	sld [smem:$0x3FB7]  }
0x3d: {  	_ =	shalt  }
0x3e: {  	_ =	shalt  }
0x3f: {  	_ =	shalt  }
0x40: {  	_ =	shalt  }
0x41: {  	_ =	shalt  }
0x42: {  	_ =	shalt  }
0x43: {  	_ =	shalt  }
0x44: {  	_ =	shalt  }
0x45: {  	_ =	shalt  }
0x46: {  	_ =	shalt  }
0x47: {  	_ =	shalt  }
0x48: {  	_ =	shalt  }
0x49: {  	_ =	shalt  }
0x4a: {  	_ =	shalt  }
0x4b: {  	_ =	shalt  }
0x4c: {  	_ =	shalt  }
0x4d: {  	_ =	shalt  }
0x4e: {  	_ =	shalt  }
0x4f: {  	_ =	shalt  }
0x50: {  	_ =	shalt  }
0x51: {  	_ =	shalt  }
0x52: {  	_ =	shalt  }
0x53: {  	_ =	shalt  }
0x54: {  	_ =	shalt  }
0x55: {  	_ =	shalt  }
0x56: {  	_ =	shalt  }
0x57: {  	_ =	shalt  }
0x58: {  	_ =	shalt  }
0x59: {  	_ =	shalt  }
0x5a: {  	_ =	shalt  }
0x5b: {  	_ =	shalt  }
0x5c: {  	_ =	shalt  }
0x5d: {  	_ =	shalt  }
0x5e: {  	_ =	shalt  }
0x5f: {  	_ =	shalt  }
0x60: {  	_ =	shalt  }
0x61: {  	_ =	shalt  }
0x62: {  	_ =	shalt  }
0x63: {  	_ =	shalt  }
0x64: {  	_ =	shalt  }
0x65: {  	_ =	shalt  }
0x66: {  	_ =	shalt  }
0x67: {  	_ =	shalt  }
0x68: {  	_ =	shalt  }
0x69: {  	_ =	shalt  }
0x6a: {  	_ =	shalt  }
0x6b: {  	_ =	shalt  }
0x6c: {  	_ =	shalt  }
0x6d: {  	_ =	shalt  }
0x6e: {  	_ =	shalt  }
0x6f: {  	_ =	shalt  }
0x70: {  	_ =	shalt  }
0x71: {  	_ =	shalt  }
0x72: {  	_ =	shalt  }
0x73: {  	_ =	shalt  }
0x74: {  	_ =	shalt  }
0x75: {  	_ =	shalt  }
0x76: {  	_ =	shalt  }
0x77: {  	_ =	shalt  }
0x78: {  	_ =	shalt  }
0x79: {  	_ =	shalt  }
0x7a: {  	_ =	shalt  }
0x7b: {  	_ =	shalt  }
0x7c: {  	_ =	shalt  }
0x7d: {  	_ =	shalt  }
0x7e: {  	_ =	shalt  }
0x7f: {  	_ =	shalt  }
0x80: {  	_ =	shalt  }
0x81: {  	_ =	shalt  }
0x82: {  	_ =	shalt  }
0x83: {  	_ =	shalt  }
0x84: {  	_ =	shalt  }
0x85: {  	_ =	shalt  }
0x86: {  	_ =	shalt  }
0x87: {  	_ =	shalt  }
.Lfunc_end0:
.L_simem_size_0:
called_computation.2_lowered:
.L_overlay_start_0:
0x88: {  	s2 =	sld [smem:$0x3FD9]  }
0x89: {  	s3 =	sld [smem:$0x3FFE];
	_ =	sdelay $0x1  }
0x8a: {  	s1 =	srdreg.scid  }
0x8b: {  	s0 =	sand.u32 $0x1, s1  }
0x8c: {  	s17 =	sshll.u32 s0, $0xA;
	s2 =	sadd.s32 s3, s2  }
0x8d: {  	s2 =	sadd.s32 s2, s17  }
0x8e: {  	[smem:$0x3FC3] =	sst s2  }
0x8f: {  	_ = 	snop  }
0x90: {  	s2 =	sld [smem:$0x3FD0];
	(tm) =	ssettm $0x1  }
0x91: {  	s18 =	sld [smem:$0x3FFB];
	_ =	sdelay $0x3  }
0x92: {  	_ =	strace s18  }
0x93: {  	s3 =	sld [smem:$0x3FFC];
	_ =	sdelay $0x3  }
0x94: {  	_ =	strace s3  }
0x95: {  	s3 =	sld [smem:$0x3FFD];
	_ =	sdelay $0x3  }
0x96: {  	_ =	strace s3  }
0x97: {  	_ =	strace $0x8FFFFFFF  }
0x98: {  	s19 =	sld [smem:$0x3FDB];
	_ =	sdelay $0x1  }
0x99: {  	s4 =	simm.s32 $_scs_section_size  }
0x9a: {  	s5 =	simm.s32 $_size__tile_overlayer_lowered;
	s6 =	simm.s32 $_tile_overlayer_lowered  }
0x9b: {  	s22 =	simm.s32 $0x1BFF;
	s21 =	sshll.u32 s6, $0x1;
	s3 =	sadd.s32 s4, s19  }
0x9c: {  	s7 =	simm.s32 $0x0;
	s20 =	sshll.u32 s5, $0x1;
	s5 =	sadd.s32 s21, s3  }
0x9d: {  	[timem:s7], [sflag:s22] =	dma.local [hbm:s5], s20  }
0x9e: {  	_ =	swait.ge [sflag:s22], s20  }
0x9f: {  	s4 =	ssub.s32 $0x0, s20;
	[sflag:s22] =	ssyncset.done $0x0  }
0xa0: {  	[sflag:s22] =	ssyncadd.s32 s4;
	_ =	sdelay $0x1  }
0xa1: {  	s23 =	simm.s32 $0x1B8B  }
0xa2: {  	_ =	swait.ge [sflag:s23], $0x1  }
0xa3: {  	[sflag:s23] =	ssyncset.done $0x0  }
0xa4: {  	s25 =	simm.s32 $0x1B8E;
	s24 =	sld [smem:$0x3FFE];
	[sflag:s23] =	ssyncadd.s32 $0xFFFFFFFF  }
0xa5: {  	s26 =	simm.s32 $execute0_lowered;
	[smem:$0x3FD2] =	sst s25  }
0xa6: {  	s5 =	sshll.u32 s26, $0x1;
	_ =	strace $0x8000004C;
	[dreg:$0x1] =	wrdreg $0xFFFFFFFF  }
0xa7: {  	s28 =	simm.s32 $_size_execute0_lowered;
	s3 =	sadd.s32 s3, s5;
	[dreg:$0x0] =	wrdreg $0x0  }
0xa8: {  	s5 =	sshll.u32 s28, $0x1;
	[dreg:$0x2] =	wrdreg s3  }
0xa9: {  	[dreg:$0x3] =	wrdreg s5  }
0xaa: {  	[dreg:$0x4] =	wrdreg $0xC0  }
0xab: {  	_ =	task [dreg:s7], $0x5FFFF  }
0xac: {  	[dreg:$0x1] =	wrdreg $0xFFFFFFFF  }
0xad: {  	[dreg:$0x0] =	wrdreg $0x60  }
0xae: {  	[dreg:$0x2] =	wrdreg s24  }
0xaf: {  	[dreg:$0x3] =	wrdreg s2  }
0xb0: {  	[dreg:$0x4] =	wrdreg $0x150000  }
0xb1: {  	[dreg:$0x5] =	wrdreg $0x9  }
0xb2: {  	_ =	task.clear_ibuf [dreg:s7], $0x6FFFF;
	_ =	strace $0x9000004C  }
0xb3: {  	s29 =	simm.s32 $0x9;
	_ =	strace $0x8000004E  }
0xb4: {  	_ =	swait.ge [sflag:s29], $0x1  }
0xb5: {  	[sflag:s29] =	ssyncadd.s32 $0xFFFFFFFF  }
0xb6: {  	_ =	strace $0x9000004E  }
0xb7: {  	_ =	sfence  }
0xb8: {  	s30 =	sld [smem:$0x0];
	_ =	sdelay $0x2  }
0xb9: {  	s31 =	sshll.u32 s1, $0xD;
	s1 =	sshrl.u32 s1, $0x2  }
0xba: {  	s3 =	sand.u32 $0x4000, s31;
	s1 =	sadd.s32 s1, s30  }
0xbb: {  	s0 =	sor.u32 s3, s0;
	s1 =	sshll.u32 s1, $0x11  }
0xbc: {  	s0 =	sor.u32 s1, s0  }
0xbd: {  	s0 =	sadd.s32 $0x8F2B, s0  }
0xbe: {  	[sflag:s0] =	ssyncadd.remote.s32 $0x1  }
0xbf: {  	_ =	sfence.sel $0xFFFF  }
0xc0: {  	[dreg:$0x0] =	wrdreg $0xFFFFFFFF;
	(pc) =	sbr.abs _section_cstart, $3  }
0xc1: {  	[dreg:$0x1] =	wrdreg $0xFFFFFFFF  }
0xc2: {  	_ =	task.clear_ibuf [dreg:s7], $0x2FFFF;
	_ =	strace $0x9FFFFFFF  }
0xc3: {  	(tm) =	ssettm $0x7FFFFFFF  }
tec
execute0_lowered:
.L_overlay_start_1:
0x0: {  	(tag) =	ssettag $0x1  }
0x1: {  	s0 =	srdreg.scid  }
0x2: {  	s1 =	rddreg [dreg:$0x0];
	s12 =	stileid.u32  }
0x3: {  	s7 =	rddreg [dreg:$0x1];
	s14 =	simm.s32 $0x100;
	s15 =	simm.s32 $0x5000  }
0x4: {  	s16 =	simm.s32 $0x9000;
	s18 =	simm.s32 $0xD000;
	s20 =	simm.s32 $0x11000  }
0x5: {  	s21 =	simm.s32 $0x1;
	s22 =	simm.s32 $0x2;
	s23 =	simm.s32 $0x3  }
0x6: {  	s24 =	simm.s32 $0x4;
	s25 =	simm.s32 $0x5;
	s28 =	simm.s32 $0x7  }
0x7: {  	s29 =	simm.s32 $0x8;
	s31 =	simm.s32 $0x4D00;
	s13 =	simm.s32 $0x0  }
0x8: {  	s0 =	sand.u32 $0x1, s0;
	s5 =	smul.u32 $0xA000, s12;
	s4 =	sadd.s32 $0x1F600, s1  }
0x9: {  	s26 =	sshll.u32 s12, $0x6;
	s2 =	sshll.u32 s0, $0x4;
	s6 =	smul.u32 $0xA0000, s0  }
0xa: {  	s0 =	ssub.s32 $0x2, s0;
	s3 =	sor.u32 s12, s2;
	s2 =	rddreg [dreg:$0x2]  }
0xb: {  	s10 =	sshrl.u32 s5, $0x3;
	s11 =	sshrl.u32 s0, $0x1;
	s12 =	simm.s32 $0x9  }
0xc: {  	s8 =	smul.u32 $0x500, s3;
	s3 =	simm.s32 $0x0;
	s6 =	sadd.s32 s5, s6  }
0xd: {  	s10 =	sadd.s32 s10, s1;
	s0 =	ssub.s32 s0, s11;
	s30 =	sadd.s32 s5, s2  }
0xe: {  	[smem:$0x7FF] =	sst s3;
	s6 =	sshrl.u32 s6, $0x3;
	s5 =	sadd.s32 $0x33600, s10  }
0xf: {  	s10 =	smax.u32 s0, $0x1;
	s11 =	sshrl.u32 s30, $0x3;
	s0 =	simm.s32 $0x4F00  }
0x10: {  	_ =	strace $0x8000004D;
	s9 =	sadd.s32 s8, s1;
	s1 =	sadd.s32 s6, s1  }
0x11: {  	s6 =	sor.u32 $0x1C09, s26;
	s7 =	sadd.s32 s7, s8;
	s26 =	simm.s32 $0x6  }
0x12: {  	s8 =	sadd.s32 $0x15600, s9;
	s9 =	sadd.s32 $0x47600, s1;
	s1 =	simm.s32 $0x4E00  }
.LBB2_1:
0x13: {  	[spmem:s11], [sflag:s6] =	dma.local [hbm:s5], $0x1400  }
0x14: {  	_ =	swait.ge [sflag:s12], $0x1400  }
0x15: {  	[sflag:s12] =	ssyncset.done $0x0  }
0x16: {  	[sflag:s12] =	ssyncadd.s32 $0xFFFFEC00  }
0x17: {  	[tilespmem:s3], [sflag:$0x9] =	stream.linear.gather [hbm4b:s7+s3], $0x2800, $0x38;
	[tilespmem:$0x1F000] =	vst v63  }
0x18: {  	_ =	swait.ge [sflag:s12], $0x2800  }
0x19: {  	[sflag:s12] =	ssyncset.done $0x0  }
0x1a: {  	s17 =	simm.s32 $0x2800;
	[sflag:s12] =	ssyncadd.s32 $0xFFFFD800  }
0x1b: {  	[tilespmem:s17], [sflag:$0x9] =	stream.linear.gather [hbm4b:s8+s3], $0x2800, $0x38;
	[tilespmem:$0x1F000] =	vst v63  }
0x1c: {  	_ =	swait.ge [sflag:s12], $0x2800  }
0x1d: {  	[sflag:s12] =	ssyncset.done $0x0  }
0x1e: {  	[sflag:s12] =	ssyncadd.s32 $0xFFFFD800  }
0x1f: {  	[bflag:$0x0] =	sbarrier.arrive $0xFFFF  }
0x20: {  	[tilespmem:s15], [sflag:$0x1] =	stream.indirect.gather [hbm4b:s4+s14], $0x40, s3, s14, $0xb8;
	[tilespmem:$0x1F000] =	vst v63  }
0x21: {  	_ = 	snop  }
0x22: {  	[tilespmem:s16], [sflag:$0x2] =	stream.indirect.gather [hbm4b:s4+s14], $0x40, s14, s14, $0xb8;
	[tilespmem:$0x1F000] =	vst v63  }
0x23: {  	s30 =	simm.s32 $0x200  }
0x24: {  	[tilespmem:s18], [sflag:$0x3] =	stream.indirect.gather [hbm4b:s4+s14], $0x40, s30, s14, $0xb8;
	[tilespmem:$0x1F000] =	vst v63  }
0x25: {  	s19 =	simm.s32 $0x300  }
0x26: {  	[tilespmem:s20], [sflag:$0x4] =	stream.indirect.gather [hbm4b:s4+s14], $0x40, s19, s14, $0xb8;
	[tilespmem:$0x1F000] =	vst v63  }
0x27: {  	_ =	swait.ge [sflag:s21], $0x4000  }
0x28: {  	[sflag:s21] =	ssyncset.done $0x0  }
0x29: {  	s30 =	simm.s32 $0x2800;
	[sflag:s21] =	ssyncadd.s32 $0xFFFFC000  }
0x2a: {  	[spmem:s2] =	stream.indirect.scatter.add.f32 [tilespmem:s15], [sflag:$0x5], $0x40, s30, s14, $0xb8;
	[tilespmem:$0x1F000] =	vst v63  }
0x2b: {  	_ =	swait.ge [sflag:s22], $0x4000  }
0x2c: {  	[sflag:s22] =	ssyncset.done $0x0  }
0x2d: {  	s19 =	simm.s32 $0x2900;
	[sflag:s22] =	ssyncadd.s32 $0xFFFFC000  }
0x2e: {  	[spmem:s2] =	stream.indirect.scatter.add.f32 [tilespmem:s16], [sflag:$0x6], $0x40, s19, s14, $0xb8;
	[tilespmem:$0x1F000] =	vst v63  }
0x2f: {  	_ =	swait.ge [sflag:s23], $0x4000  }
0x30: {  	[sflag:s23] =	ssyncset.done $0x0  }
0x31: {  	s30 =	simm.s32 $0x2A00;
	[sflag:s23] =	ssyncadd.s32 $0xFFFFC000  }
0x32: {  	[spmem:s2] =	stream.indirect.scatter.add.f32 [tilespmem:s18], [sflag:$0x7], $0x40, s30, s14, $0xb8;
	[tilespmem:$0x1F000] =	vst v63  }
0x33: {  	_ =	swait.ge [sflag:s24], $0x4000  }
0x34: {  	[sflag:s24] =	ssyncset.done $0x0  }
0x35: {  	s19 =	simm.s32 $0x2B00;
	[sflag:s24] =	ssyncadd.s32 $0xFFFFC000  }
0x36: {  	[spmem:s2] =	stream.indirect.scatter.add.f32 [tilespmem:s20], [sflag:$0x8], $0x40, s19, s14, $0xb8;
	[tilespmem:$0x1F000] =	vst v63  }
0x37: {  	_ =	swait.ge [sflag:s25], $0x4000  }
0x38: {  	[sflag:s25] =	ssyncset.done $0x0  }
0x39: {  	s30 =	simm.s32 $0x400;
	[sflag:s25] =	ssyncadd.s32 $0xFFFFC000  }
0x3a: {  	[tilespmem:s15], [sflag:$0x1] =	stream.indirect.gather [hbm4b:s4+s14], $0x40, s30, s14, $0xb8;
	[tilespmem:$0x1F000] =	vst v63  }
0x3b: {  	_ =	swait.ge [sflag:s26], $0x4000  }
0x3c: {  	[sflag:s26] =	ssyncset.done $0x0  }
0x3d: {  	s19 =	simm.s32 $0x500;
	[sflag:s26] =	ssyncadd.s32 $0xFFFFC000  }
0x3e: {  	[tilespmem:s16], [sflag:$0x2] =	stream.indirect.gather [hbm4b:s4+s14], $0x40, s19, s14, $0xb8;
	[tilespmem:$0x1F000] =	vst v63  }
0x3f: {  	_ =	swait.ge [sflag:s28], $0x4000  }
0x40: {  	[sflag:s28] =	ssyncset.done $0x0  }
0x41: {  	s30 =	simm.s32 $0x600;
	[sflag:s28] =	ssyncadd.s32 $0xFFFFC000  }
0x42: {  	[tilespmem:s18], [sflag:$0x3] =	stream.indirect.gather [hbm4b:s4+s14], $0x40, s30, s14, $0xb8;
	[tilespmem:$0x1F000] =	vst v63  }
0x43: {  	_ =	swait.ge [sflag:s29], $0x4000  }
0x44: {  	[sflag:s29] =	ssyncset.done $0x0  }
0x45: {  	s17 =	simm.s32 $0x1000;
	s19 =	simm.s32 $0x700;
	[sflag:s29] =	ssyncadd.s32 $0xFFFFC000  }
.LBB2_2:
0x46: {  	[tilespmem:s20], [sflag:$0x4] =	stream.indirect.gather [hbm4b:s4+s14], $0x40, s19, s14, $0xb8;
	[tilespmem:$0x1F000] =	vst v63  }
0x47: {  	s19 =	smov.u32 s17  }
0x48: {  	p0 =	sne.s32 s17, $0x8000;
	s17 =	sadd.s32 $0x1000, s17;
	_ =	swait.ge [sflag:s21], $0x4000  }
0x49: {  	s19 =	sshra.s32 s19, $0x2;
	[sflag:s21] =	ssyncset.done $0x0  }
0x4a: {  	s30 =	sadd.s32 $0x2800, s19;
	[sflag:s21] =	ssyncadd.s32 $0xFFFFC000  }
0x4b: {  	[spmem:s2] =	stream.indirect.scatter.add.f32 [tilespmem:s15], [sflag:$0x5], $0x40, s30, s14, $0xb8;
	[tilespmem:$0x1F000] =	vst v63  }
0x4c: {  	_ =	swait.ge [sflag:s22], $0x4000  }
0x4d: {  	[sflag:s22] =	ssyncset.done $0x0  }
0x4e: {  	s30 =	sadd.s32 $0x2900, s19;
	[sflag:s22] =	ssyncadd.s32 $0xFFFFC000  }
0x4f: {  	[spmem:s2] =	stream.indirect.scatter.add.f32 [tilespmem:s16], [sflag:$0x6], $0x40, s30, s14, $0xb8;
	[tilespmem:$0x1F000] =	vst v63  }
0x50: {  	_ =	swait.ge [sflag:s23], $0x4000  }
0x51: {  	[sflag:s23] =	ssyncset.done $0x0  }
0x52: {  	s30 =	sadd.s32 $0x2A00, s19;
	[sflag:s23] =	ssyncadd.s32 $0xFFFFC000  }
0x53: {  	[spmem:s2] =	stream.indirect.scatter.add.f32 [tilespmem:s18], [sflag:$0x7], $0x40, s30, s14, $0xb8;
	[tilespmem:$0x1F000] =	vst v63  }
0x54: {  	_ =	swait.ge [sflag:s24], $0x4000  }
0x55: {  	[sflag:s24] =	ssyncset.done $0x0  }
0x56: {  	s30 =	sadd.s32 $0x2B00, s19;
	[sflag:s24] =	ssyncadd.s32 $0xFFFFC000  }
0x57: {  	[spmem:s2] =	stream.indirect.scatter.add.f32 [tilespmem:s20], [sflag:$0x8], $0x40, s30, s14, $0xb8;
	[tilespmem:$0x1F000] =	vst v63  }
0x58: {  	_ =	swait.ge [sflag:s25], $0x4000  }
0x59: {  	[sflag:s25] =	ssyncset.done $0x0  }
0x5a: {  	s30 =	sadd.s32 $0x400, s19;
	[sflag:s25] =	ssyncadd.s32 $0xFFFFC000  }
0x5b: {  	[tilespmem:s15], [sflag:$0x1] =	stream.indirect.gather [hbm4b:s4+s14], $0x40, s30, s14, $0xb8;
	[tilespmem:$0x1F000] =	vst v63  }
0x5c: {  	_ =	swait.ge [sflag:s26], $0x4000  }
0x5d: {  	[sflag:s26] =	ssyncset.done $0x0  }
0x5e: {  	s30 =	sadd.s32 $0x500, s19;
	[sflag:s26] =	ssyncadd.s32 $0xFFFFC000  }
0x5f: {  	[tilespmem:s16], [sflag:$0x2] =	stream.indirect.gather [hbm4b:s4+s14], $0x40, s30, s14, $0xb8;
	[tilespmem:$0x1F000] =	vst v63  }
0x60: {  	_ =	swait.ge [sflag:s28], $0x4000  }
0x61: {  	[sflag:s28] =	ssyncset.done $0x0  }
.Ltmp0:
0x62: {  	s30 =	sadd.s32 $0x600, s19;
	[sflag:s28] =	ssyncadd.s32 $0xFFFFC000;
	(pc) =	sbr.rel @p0 .LBB2_2-.Ltmp0, $4  }
0x63: {  	[tilespmem:s18], [sflag:$0x3] =	stream.indirect.gather [hbm4b:s4+s14], $0x40, s30, s14, $0xb8;
	[tilespmem:$0x1F000] =	vst v63  }
0x64: {  	_ =	swait.ge [sflag:s29], $0x4000  }
0x65: {  	[sflag:s29] =	ssyncset.done $0x0  }
0x66: {  	s19 =	sadd.s32 $0x700, s19;
	[sflag:s29] =	ssyncadd.s32 $0xFFFFC000  }
0x67: {  	[tilespmem:s20], [sflag:$0x4] =	stream.indirect.gather [hbm4b:s4+s14], $0x40, s19, s14, $0xb8;
	[tilespmem:$0x1F000] =	vst v63  }
0x68: {  	_ =	swait.ge [sflag:s21], $0x4000  }
0x69: {  	[sflag:s21] =	ssyncset.done $0x0  }
0x6a: {  	s17 =	simm.s32 $0x4C00;
	[sflag:s21] =	ssyncadd.s32 $0xFFFFC000  }
0x6b: {  	[spmem:s2] =	stream.indirect.scatter.add.f32 [tilespmem:s15], [sflag:$0x5], $0x40, s17, s14, $0xb8;
	[tilespmem:$0x1F000] =	vst v63  }
0x6c: {  	_ =	swait.ge [sflag:s22], $0x4000  }
0x6d: {  	[sflag:s22] =	ssyncset.done $0x0  }
0x6e: {  	[sflag:s22] =	ssyncadd.s32 $0xFFFFC000  }
0x6f: {  	[spmem:s2] =	stream.indirect.scatter.add.f32 [tilespmem:s16], [sflag:$0x6], $0x40, s31, s14, $0xb8;
	[tilespmem:$0x1F000] =	vst v63  }
0x70: {  	_ =	swait.ge [sflag:s23], $0x4000  }
0x71: {  	[sflag:s23] =	ssyncset.done $0x0  }
0x72: {  	[sflag:s23] =	ssyncadd.s32 $0xFFFFC000  }
0x73: {  	[spmem:s2] =	stream.indirect.scatter.add.f32 [tilespmem:s18], [sflag:$0x7], $0x40, s1, s14, $0xb8;
	[tilespmem:$0x1F000] =	vst v63  }
0x74: {  	_ =	swait.ge [sflag:s24], $0x4000  }
0x75: {  	[sflag:s24] =	ssyncset.done $0x0  }
0x76: {  	[sflag:s24] =	ssyncadd.s32 $0xFFFFC000  }
0x77: {  	[spmem:s2] =	stream.indirect.scatter.add.f32 [tilespmem:s20], [sflag:$0x8], $0x40, s0, s14, $0xb8;
	[tilespmem:$0x1F000] =	vst v63  }
0x78: {  	_ =	swait.ge [sflag:s25], $0x4000  }
0x79: {  	[sflag:s25] =	ssyncset.done $0x0  }
0x7a: {  	[sflag:s25] =	ssyncadd.s32 $0xFFFFC000  }
0x7b: {  	_ =	swait.ge [sflag:s26], $0x4000  }
0x7c: {  	[sflag:s26] =	ssyncset.done $0x0  }
0x7d: {  	[sflag:s26] =	ssyncadd.s32 $0xFFFFC000  }
0x7e: {  	_ =	swait.ge [sflag:s28], $0x4000  }
0x7f: {  	[sflag:s28] =	ssyncset.done $0x0  }
0x80: {  	[sflag:s28] =	ssyncadd.s32 $0xFFFFC000  }
0x81: {  	_ =	swait.ge [sflag:s29], $0x4000  }
0x82: {  	s13 =	sadd.s32 $0x1, s13;
	[sflag:s29] =	ssyncset.done $0x0  }
0x83: {  	p0 =	sne.s32 s13, s10;
	[sflag:s29] =	ssyncadd.s32 $0xFFFFC000  }
.Ltmp1:
0x84: {  	[bflag:$0x0] =	sbarrier.arrive $0xFFFF;
	(pc) =	sbr.rel @p0 .LBB2_1-.Ltmp1, $4  }
0x85: {  	[hbm:s9], [sflag:s6] =	dma.local [spmem:s11], $0x1400  }
0x86: {  	_ =	swait.ge [sflag:s12], $0x1400  }
0x87: {  	[sflag:s12] =	ssyncset.done $0x0  }
0x88: {  	[sflag:s12] =	ssyncadd.s32 $0xFFFFEC00  }
0x89: {  	_ =	sfence.sel $0x180000  }
0x8a: {  	[bflag:$0x0] =	sbarrier.arrive $0xFFFF  }
0x8b: {  	_ =	strace $0x9000004D  }
0x8c: {  	s0 =	stileid.u32;
	[bflag:$0x2] =	sbarrier.arrive $0xFFFF  }
0x8d: {  	p0 =	sne.s32 s0, $0x0;
	s0 =	rddreg [dreg:$0x3]  }
0x8e: {  	s0 =	sadd.s32 @!p0 $0x100000, s0  }
0x8f: {  	[sflag:s0] =	ssyncadd.tile.s32 @!p0 $0x1;
	_ =	shalt  }
.Lfunc_end2:
_tile_overlayer_lowered:
.L_overlay_start_2:
0x90: {  	(tag) =	ssettag $0x2  }
0x91: {  	s0 =	rddreg [dreg:$0x0];
	s2 =	stileid.u32  }
0x92: {  	s1 =	rddreg [dreg:$0x1];
	p0 =	sne.s32 s2, $0x0  }
0x93: {  	s3 =	rddreg [dreg:$0x2];
	[bflag:$0x3] =	sbarrier.arrive $0xFFFF;
	s2 =	simm.s32 @!p0 $0x1C09  }
0x94: {  	[timem:s3], [sflag:s2] =	dma.local @!p0 [hbm:s0], s1  }
0x95: {  	s0 =	simm.s32 @!p0 $0x9  }
0x96: {  	_ =	swait.ge @!p0 [sflag:s0], s1  }
0x97: {  	s1 =	ssub.s32 @!p0 $0x0, s1;
	[sflag:s0] =	ssyncset.done @!p0 $0x0  }
0x98: {  	[sflag:s0] =	ssyncadd.s32 @!p0 s1  }
0x99: {  	[bflag:$0x3] =	sbarrier.arrive $0xFFFF  }
0x9a: {  	_ =	shalt  }

// kernel: kernel.8.cloned.1.call-start
scs
__scs_entry_jumppad:
0x0: {  	(pc) =	sbr.rel $0x88, $3  }
0x1: {  	(tag) =	ssettag $0x0;
	lr =	simm.s32 $0x1  }
0x2: {  	[smem:$0x3F9C] =	sst lr;
	_ =	strace $0xD0000000  }
0x3: {  	_ = 	snop  }
0x4: {  	_ = 	snop  }
0x5: {  	_ = 	snop  }
0x6: {  	_ = 	snop  }
0x7: {  	_ = 	snop  }
__scs_overlays_trampoline_lowered:
0x8: {  	[smem:$0x3FAB] =	sst s0  }
0x9: {  	[smem:$0x3FAC] =	sst s1  }
0xa: {  	[smem:$0x3FAD] =	sst s2  }
0xb: {  	[smem:$0x3FAE] =	sst s3  }
0xc: {  	[smem:$0x3FAF] =	sst s4  }
0xd: {  	[smem:$0x3FB0] =	sst s5  }
0xe: {  	[smem:$0x3FB1] =	sst s6  }
0xf: {  	[smem:$0x3FB2] =	sst s7  }
0x10: {  	[smem:$0x3FB3] =	sst s8  }
0x11: {  	[smem:$0x3FB4] =	sst s9;
	s0 =	simm.s32 @!p0 $0x0  }
0x12: {  	s1 =	sld [smem:$0x3F9A];
	s0 =	simm.s32 @p0 $0x1  }
0x13: {  	[smem:$0x3FB5] =	sst s0;
	s0 =	simm.s32 @!p1 $0x0  }
0x14: {  	s2 =	sld [smem:$0x3F99];
	s0 =	simm.s32 @p1 $0x1  }
0x15: {  	[smem:$0x3FB6] =	sst s0;
	s0 =	simm.s32 @!p2 $0x0  }
0x16: {  	s3 =	sld [smem:$0x3FDB];
	s0 =	simm.s32 @p2 $0x1  }
0x17: {  	s4 =	simm.s32 $0x1BF5;
	[smem:$0x3FB8] =	sst s0  }
0x18: {  	s0 =	sld [smem:$0x3F9B];
	_ =	swait.ge [sflag:s4], $0x0  }
0x19: {  	s7 =	sld [smem:$0x3F9C]  }
0x1a: {  	s8 =	sadd.s32 $0xFFFFE003, lr  }
0x1b: {  	s9 =	sadd.s32 $0xFFFFFEF7, lr;
	s5 =	simm.s32 $0xFFFFFFFF;
	p2 =	slt.u32 s8, $0xFFFFF086  }
0x1c: {  	p1 =	slt.u32 s9, $0xF7A;
	s5 =	simm.s32 @!p2 $0x0  }
0x1d: {  	s5 =	simm.s32 @p1 $0x1;
	p0 =	seq.s32 s7, s2  }
0x1e: {  	s7 =	smul.u32 @!p0 $0xF7A, s2;
	p2 =	seq.s32 @!p0 s5, $0x0  }
0x1f: {  	s9 =	smul.u32 $0xF7A, s1;
	s8 =	simm.s32 @!p0 $0x1BF5;
	p2 =	por !p2, p0  }
0x20: {  	[sflag:s8] =	ssyncset.s32 @!p0 $0xFFFFF086;
	s6 =	sadd.s32 @!p0 s3, s7;
	s7 =	simm.s32 @!p0 $0x108  }
0x21: {  	s3 =	sadd.s32 s3, s9;
	s6 =	sadd.s32 @!p0 $0x88, s6;
	s7 =	simm.s32 @p2 $0x1082  }
0x22: {  	[simem:s7], [sflag:s8] =	dma.local @!p0 [hbm:s6], $0xF7A  }
0x23: {  	s9 =	sor.u32 $0xD0000000, s2;
	s6 =	simm.s32 $0x108;
	_ =	swait.ge @!p0 [sflag:s8], $0x0  }
0x24: {  	s3 =	sadd.s32 $0x88, s3;
	s6 =	simm.s32 @!p1 $0x1082;
	[sflag:s4] =	ssyncset.s32 $0xFFFFF086  }
0x25: {  	[simem:s6], [sflag:s4] =	dma.local [hbm:s3], $0xF7A  }
0x26: {  	[smem:$0x3F9C] =	sst s1;
	(tag) =	ssettag s2;
	_ =	strace s9  }
0x27: {  	s1 =	sld [smem:$0x3FAC]  }
0x28: {  	s2 =	sld [smem:$0x3FAD]  }
0x29: {  	s4 =	sld [smem:$0x3FAF]  }
0x2a: {  	p0 =	seq.s32 s5, $0x0;
	s5 =	sld [smem:$0x3FB0]  }
0x2b: {  	s6 =	sld [smem:$0x3FB1]  }
0x2c: {  	s7 =	sld [smem:$0x3FB2]  }
0x2d: {  	s3 =	simm.s32 $0x108;
	s8 =	sld [smem:$0x3FB3]  }
0x2e: {  	s3 =	simm.s32 @!p0 $0x1082;
	s9 =	sld [smem:$0x3FB4]  }
0x2f: {  	lr =	sadd.s32 s0, s3;
	s0 =	sld [smem:$0x3FAB]  }
0x30: {  	s3 =	sld [smem:$0x3FAE]  }
0x31: {  	[smem:$0x3FB7] =	sst s10  }
0x32: {  	s10 =	sld [smem:$0x3FB5];
	_ =	sdelay $0x3  }
0x33: {  	p0 =	seq.s32 s10, $0x1;
	s10 =	sld [smem:$0x3FB7];
	_ =	sdelay $0x3  }
0x34: {  	[smem:$0x3FB7] =	sst s10  }
0x35: {  	s10 =	sld [smem:$0x3FB6];
	_ =	sdelay $0x3  }
0x36: {  	p1 =	seq.s32 s10, $0x1;
	s10 =	sld [smem:$0x3FB7];
	_ =	sdelay $0x3  }
0x37: {  	[smem:$0x3FB7] =	sst s10  }
0x38: {  	s10 =	sld [smem:$0x3FB8]  }
0x39: {  	_ = 	snop;
	(pc) =	sbr.ind lr, $3  }
0x3a: {  	_ = 	snop  }
0x3b: {  	_ = 	snop  }
0x3c: {  	p2 =	seq.s32 s10, $0x1;
	s10 =	sld [smem:$0x3FB7]  }
0x3d: {  	_ =	shalt  }
0x3e: {  	_ =	shalt  }
0x3f: {  	_ =	shalt  }
0x40: {  	_ =	shalt  }
0x41: {  	_ =	shalt  }
0x42: {  	_ =	shalt  }
0x43: {  	_ =	shalt  }
0x44: {  	_ =	shalt  }
0x45: {  	_ =	shalt  }
0x46: {  	_ =	shalt  }
0x47: {  	_ =	shalt  }
0x48: {  	_ =	shalt  }
0x49: {  	_ =	shalt  }
0x4a: {  	_ =	shalt  }
0x4b: {  	_ =	shalt  }
0x4c: {  	_ =	shalt  }
0x4d: {  	_ =	shalt  }
0x4e: {  	_ =	shalt  }
0x4f: {  	_ =	shalt  }
0x50: {  	_ =	shalt  }
0x51: {  	_ =	shalt  }
0x52: {  	_ =	shalt  }
0x53: {  	_ =	shalt  }
0x54: {  	_ =	shalt  }
0x55: {  	_ =	shalt  }
0x56: {  	_ =	shalt  }
0x57: {  	_ =	shalt  }
0x58: {  	_ =	shalt  }
0x59: {  	_ =	shalt  }
0x5a: {  	_ =	shalt  }
0x5b: {  	_ =	shalt  }
0x5c: {  	_ =	shalt  }
0x5d: {  	_ =	shalt  }
0x5e: {  	_ =	shalt  }
0x5f: {  	_ =	shalt  }
0x60: {  	_ =	shalt  }
0x61: {  	_ =	shalt  }
0x62: {  	_ =	shalt  }
0x63: {  	_ =	shalt  }
0x64: {  	_ =	shalt  }
0x65: {  	_ =	shalt  }
0x66: {  	_ =	shalt  }
0x67: {  	_ =	shalt  }
0x68: {  	_ =	shalt  }
0x69: {  	_ =	shalt  }
0x6a: {  	_ =	shalt  }
0x6b: {  	_ =	shalt  }
0x6c: {  	_ =	shalt  }
0x6d: {  	_ =	shalt  }
0x6e: {  	_ =	shalt  }
0x6f: {  	_ =	shalt  }
0x70: {  	_ =	shalt  }
0x71: {  	_ =	shalt  }
0x72: {  	_ =	shalt  }
0x73: {  	_ =	shalt  }
0x74: {  	_ =	shalt  }
0x75: {  	_ =	shalt  }
0x76: {  	_ =	shalt  }
0x77: {  	_ =	shalt  }
0x78: {  	_ =	shalt  }
0x79: {  	_ =	shalt  }
0x7a: {  	_ =	shalt  }
0x7b: {  	_ =	shalt  }
0x7c: {  	_ =	shalt  }
0x7d: {  	_ =	shalt  }
0x7e: {  	_ =	shalt  }
0x7f: {  	_ =	shalt  }
0x80: {  	_ =	shalt  }
0x81: {  	_ =	shalt  }
0x82: {  	_ =	shalt  }
0x83: {  	_ =	shalt  }
0x84: {  	_ =	shalt  }
0x85: {  	_ =	shalt  }
0x86: {  	_ =	shalt  }
0x87: {  	_ =	shalt  }
.Lfunc_end0:
.L_simem_size_0:
called_computation_lowered:
.L_overlay_start_0:
0x88: {  	s2 =	sld [smem:$0x3FD9]  }
0x89: {  	s3 =	sld [smem:$0x3FFE];
	_ =	sdelay $0x1  }
0x8a: {  	s1 =	srdreg.scid  }
0x8b: {  	s0 =	sand.u32 $0x1, s1  }
0x8c: {  	s16 =	sshll.u32 s0, $0xA;
	s2 =	sadd.s32 s3, s2  }
0x8d: {  	s2 =	sadd.s32 s2, s16  }
0x8e: {  	[smem:$0x3FC3] =	sst s2  }
0x8f: {  	_ = 	snop  }
0x90: {  	(tm) =	ssettm $0x1  }
0x91: {  	s17 =	sld [smem:$0x3FFB];
	_ =	sdelay $0x3  }
0x92: {  	_ =	strace s17  }
0x93: {  	s2 =	sld [smem:$0x3FFC];
	_ =	sdelay $0x3  }
0x94: {  	_ =	strace s2  }
0x95: {  	s2 =	sld [smem:$0x3FFD];
	_ =	sdelay $0x3  }
0x96: {  	_ =	strace s2  }
0x97: {  	_ =	strace $0x8FFFFFFF  }
0x98: {  	s18 =	sld [smem:$0x3FDB];
	_ =	sdelay $0x1  }
0x99: {  	s19 =	simm.s32 $_scs_section_size  }
0x9a: {  	s4 =	simm.s32 $_size__tile_overlayer_lowered;
	s5 =	simm.s32 $_tile_overlayer_lowered  }
0x9b: {  	s22 =	simm.s32 $0x1BFF;
	s21 =	sshll.u32 s5, $0x1;
	s2 =	sadd.s32 s19, s18  }
0x9c: {  	s6 =	simm.s32 $0x0;
	s20 =	sshll.u32 s4, $0x1;
	s4 =	sadd.s32 s21, s2  }
0x9d: {  	[timem:s6], [sflag:s22] =	dma.local [hbm:s4], s20  }
0x9e: {  	_ =	swait.ge [sflag:s22], s20  }
0x9f: {  	s3 =	ssub.s32 $0x0, s20;
	[sflag:s22] =	ssyncset.done $0x0  }
0xa0: {  	[sflag:s22] =	ssyncadd.s32 s3;
	_ =	sdelay $0x1  }
0xa1: {  	s23 =	simm.s32 $0x1B8B  }
0xa2: {  	_ =	swait.ge [sflag:s23], $0x1  }
0xa3: {  	[sflag:s23] =	ssyncset.done $0x0  }
0xa4: {  	s25 =	simm.s32 $0x1B8E;
	s24 =	sld [smem:$0x3FFE];
	[sflag:s23] =	ssyncadd.s32 $0xFFFFFFFF  }
0xa5: {  	s26 =	simm.s32 $execute0_lowered;
	[smem:$0x3FD2] =	sst s25  }
0xa6: {  	s4 =	sshll.u32 s26, $0x1;
	_ =	strace $0x80000046;
	[dreg:$0x1] =	wrdreg $0xFFFFFFFF  }
0xa7: {  	s28 =	simm.s32 $_size_execute0_lowered;
	s2 =	sadd.s32 s2, s4;
	[dreg:$0x0] =	wrdreg $0x0  }
0xa8: {  	s4 =	sshll.u32 s28, $0x1;
	[dreg:$0x2] =	wrdreg s2  }
0xa9: {  	[dreg:$0x3] =	wrdreg s4  }
0xaa: {  	[dreg:$0x4] =	wrdreg $0xC0  }
0xab: {  	_ =	task [dreg:s6], $0x5FFFF  }
0xac: {  	[dreg:$0x1] =	wrdreg $0xFFFFFFFF  }
0xad: {  	[dreg:$0x0] =	wrdreg $0x60  }
0xae: {  	[dreg:$0x2] =	wrdreg s24  }
0xaf: {  	[dreg:$0x3] =	wrdreg $0x9  }
0xb0: {  	_ =	task.clear_ibuf [dreg:s6], $0x4FFFF;
	_ =	strace $0x90000046  }
0xb1: {  	s29 =	simm.s32 $0x9;
	_ =	strace $0x80000048  }
0xb2: {  	_ =	swait.ge [sflag:s29], $0x1  }
0xb3: {  	[sflag:s29] =	ssyncadd.s32 $0xFFFFFFFF  }
0xb4: {  	_ =	strace $0x90000048  }
0xb5: {  	_ =	sfence  }
0xb6: {  	s30 =	sld [smem:$0x0];
	_ =	sdelay $0x2  }
0xb7: {  	s31 =	sshll.u32 s1, $0xD;
	s1 =	sshrl.u32 s1, $0x2  }
0xb8: {  	s3 =	sand.u32 $0x4000, s31;
	s1 =	sadd.s32 s1, s30  }
0xb9: {  	s0 =	sor.u32 s3, s0;
	s1 =	sshll.u32 s1, $0x11  }
0xba: {  	s0 =	sor.u32 s1, s0  }
0xbb: {  	s0 =	sadd.s32 $0x8F2B, s0  }
0xbc: {  	[sflag:s0] =	ssyncadd.remote.s32 $0x1  }
0xbd: {  	_ =	sfence.sel $0xFFFF  }
0xbe: {  	[dreg:$0x0] =	wrdreg $0xFFFFFFFF;
	(pc) =	sbr.abs _section_cstart, $3  }
0xbf: {  	[dreg:$0x1] =	wrdreg $0xFFFFFFFF  }
0xc0: {  	_ =	task.clear_ibuf [dreg:s6], $0x2FFFF;
	_ =	strace $0x9FFFFFFF  }
0xc1: {  	(tm) =	ssettm $0x7FFFFFFF  }
tec
execute0_lowered:
.L_overlay_start_1:
0x0: {  	(tag) =	ssettag $0x1  }
0x1: {  	s0 =	srdreg.scid  }
0x2: {  	s3 =	sand.u32 $0x1, s0  }
0x3: {  	s4 =	rddreg [dreg:$0x0];
	s0 =	stileid.u32;
	s1 =	sshll.u32 s3, $0x4  }
0x4: {  	s2 =	simm.s32 $0x0;
	s8 =	simm.s32 $0x0;
	s5 =	sor.u32 s0, s1  }
0x5: {  	[smem:$0x7FF] =	sst s2;
	s3 =	ssub.s32 $0x2, s3;
	s6 =	smul.u32 $0x4E2, s5  }
0x6: {  	s1 =	rddreg [dreg:$0x1];
	s7 =	sshrl.u32 s3, $0x1;
	s5 =	smul.u32 $0x500, s5  }
0x7: {  	_ =	strace $0x80000047;
	s31 =	ssub.s32 s3, s7;
	s7 =	simm.s32 $0x2710  }
0x8: {  	s6 =	sadd.s32 s6, s4;
	s4 =	sadd.s32 s5, s4;
	s5 =	smax.u32 s31, $0x1  }
0x9: {  	v0 =	vimm.f32 $0.0e+00;
	v1 =	vimm.f32 $1.000000000e+00;
	s3 =	sadd.s32 $0x1800, s6;
	s4 =	sadd.s32 $0xB600, s4;
	s6 =	simm.s32 $0x1  }
.LBB2_1:
0xa: {  	s9 =	simm.s32 $0x40;
	s10 =	simm.s32 $0x0  }
.LBB2_2:
0xb: {  	p0 =	sne.s32 s9, $0x9FC0;
	[tilespmem:s10+$0x2710] =	vst v0;
	s10 =	smov.u32 s9;
	s9 =	sadd.s32 $0x40, s9  }
.Ltmp0:
0xc: {  	(pc) =	sbr.rel @p0 .LBB2_2-.Ltmp0, $2  }
0xd: {  	_ =	sdelay $0x2  }
0xe: {  	s10 =	sshra.s32 s10, $0x2  }
0xf: {  	[tilespmem:s10+$0x2710] =	vst v0;
	s9 =	simm.s32 $0x0  }
0x10: {  	[tilespmem:s9], [sflag:$0x1] =	stream.linear.gather [hbm4b:s3+s9], $0x2710, $0x38;
	[tilespmem:$0x4F10] =	vst v63  }
0x11: {  	_ =	swait.ge [sflag:s6], $0x2710  }
0x12: {  	[sflag:s6] =	ssyncset.done $0x0  }
0x13: {  	s10 =	simm.s32 $0x0;
	s9 =	simm.s32 $0x40;
	[sflag:s6] =	ssyncadd.s32 $0xFFFFD8F0  }
.LBB2_4:
0x14: {  	p0 =	sne.s32 s9, $0x9C00;
	v2 =	vld [tilespmem:s10+$0x0];
	_ =	sdelay $0x3  }
.Ltmp1:
0x15: {  	(pc) =	sbr.rel @p0 .LBB2_4-.Ltmp1, $2  }
0x16: {  	_ =	sdelay $0x2  }
0x17: {  	s10 =	sshra.s32 s9, $0x2;
	s9 =	sadd.s32 $0x40, s9;
	[tilespmem:v2+s7+$0x0] =	vst.idx.add.f32.msk $0xffff, v1  }
0x18: {  	v2 =	vld [tilespmem:s10+$0x0];
	_ =	sdelay $0x5  }
0x19: {  	s8 =	sadd.s32 $0x1, s8  }
0x1a: {  	p0 =	sne.s32 s8, s5  }
.Ltmp2:
0x1b: {  	[tilespmem:v2+s7+$0x0] =	vst.idx.add.f32.msk $0xffff, v1;
	(pc) =	sbr.rel @p0 .LBB2_1-.Ltmp2, $4  }
0x1c: {  	[hbm4b:s4+s2] =	stream.linear.scatter [tilespmem:s7], [sflag:$0x1], $0x2800, $0x38;
	[tilespmem:$0x4F10] =	vst v63  }
0x1d: {  	_ =	swait.ge [sflag:s6], $0x2800  }
0x1e: {  	[sflag:s6] =	ssyncset.done $0x0  }
0x1f: {  	[sflag:s6] =	ssyncadd.s32 $0xFFFFD800  }
0x20: {  	_ =	sfence.sel $0x180000  }
0x21: {  	[bflag:$0x0] =	sbarrier.arrive $0xFFFF  }
0x22: {  	p0 =	sne.s32 s0, $0x0;
	_ =	strace $0x90000047  }
0x23: {  	s0 =	sadd.s32 @!p0 $0x100000, s1;
	[bflag:$0x2] =	sbarrier.arrive $0xFFFF  }
0x24: {  	[sflag:s0] =	ssyncadd.tile.s32 @!p0 $0x1;
	_ =	shalt  }
.Lfunc_end2:
_tile_overlayer_lowered:
.L_overlay_start_2:
0x25: {  	(tag) =	ssettag $0x2  }
0x26: {  	s0 =	rddreg [dreg:$0x0];
	s2 =	stileid.u32  }
0x27: {  	s1 =	rddreg [dreg:$0x1];
	p0 =	sne.s32 s2, $0x0  }
0x28: {  	s3 =	rddreg [dreg:$0x2];
	[bflag:$0x3] =	sbarrier.arrive $0xFFFF;
	s2 =	simm.s32 @!p0 $0x1C01  }
0x29: {  	[timem:s3], [sflag:s2] =	dma.local @!p0 [hbm:s0], s1  }
0x2a: {  	s0 =	simm.s32 @!p0 $0x1  }
0x2b: {  	_ =	swait.ge @!p0 [sflag:s0], s1  }
0x2c: {  	s1 =	ssub.s32 @!p0 $0x0, s1;
	[sflag:s0] =	ssyncset.done @!p0 $0x0  }
0x2d: {  	[sflag:s0] =	ssyncadd.s32 @!p0 s1  }
0x2e: {  	[bflag:$0x3] =	sbarrier.arrive $0xFFFF  }
0x2f: {  	_ =	shalt  }

</sc_bundles>
